<compile_context>
chip_gen: v7x
topology: tpu7x:2x2x1
jax: 0.10.2.dev20260603
libtpu: 0.0.44.dev20260713+nightly
codegen_flags: <defaults>
</compile_context>

<pallas_src>
import jax
import jax.numpy as jnp
from jax import lax
from jax.experimental import pallas as pl
from jax.experimental.pallas import tpu as pltpu
from jax.experimental.pallas import tpu_sc as plsc

B, T, D = 16, 4096, 1024
NC, NS, L = 2, 16, 16
LG = D // L
TCH = 16
TTC = 2624
ROWS_W = (T - TTC) // 2
NCH = ROWS_W // TCH


def _tree(buf, col):
    vs = [buf[t, pl.ds(col, L)] for t in range(TCH)]
    while len(vs) > 1:
        nxt = [vs[i] + vs[i + 1] for i in range(0, len(vs) - 1, 2)]
        if len(vs) % 2:
            nxt.append(vs[-1])
        vs = nxt
    return vs[0]


def _body(x_hbm, lens_hbm, out_hbm, buf0, buf1, acc, lens_v, spmem, sem0, sem1):
    c = lax.axis_index("c")
    s = lax.axis_index("s")
    b = c * 8 + s // 2
    h = s % 2
    row0 = TTC + h * ROWS_W

    zeros = jnp.zeros((L,), jnp.float32)

    @plsc.parallel_loop(0, LG, 1, unroll=4)
    def _(j):
        acc[pl.ds(j * L, L)] = zeros

    def src(chunk):
        return x_hbm.at[b, pl.ds(row0 + chunk * TCH, TCH), :]

    pltpu.make_async_copy(src(0), buf0, sem0).start()
    pltpu.make_async_copy(src(1), buf1, sem1).start()

    def accumulate(buf):
        @plsc.parallel_loop(0, LG, 1, unroll=4)
        def _(j):
            col = j * L
            acc[pl.ds(col, L)] = acc[pl.ds(col, L)] + _tree(buf, col)

    def pair(i, _):
        c0 = 2 * i
        pltpu.make_async_copy(src(c0), buf0, sem0).wait()
        accumulate(buf0)

        @pl.when(c0 + 2 < NCH)
        def _():
            pltpu.make_async_copy(src(c0 + 2), buf0, sem0).start()

        pltpu.make_async_copy(src(c0 + 1), buf1, sem1).wait()
        accumulate(buf1)

        @pl.when(c0 + 3 < NCH)
        def _():
            pltpu.make_async_copy(src(c0 + 3), buf1, sem1).start()

        return 0

    lax.fori_loop(0, NCH // 2, pair, 0)

    pltpu.sync_copy(lens_hbm, lens_v)
    lens_f = lens_v[...].astype(jnp.float32)
    lens_f = jnp.where(lens_f == 0.0, jnp.float32(1.5), lens_f)
    idx = jnp.full((L,), b, dtype=jnp.int32)
    dnums = lax.GatherDimensionNumbers(
        offset_dims=(), collapsed_slice_dims=(0,), start_index_map=(0,))
    my_len = lax.gather(lens_f, idx[:, None], dnums, slice_sizes=(1,),
                        mode=lax.GatherScatterMode.PROMISE_IN_BOUNDS)
    @plsc.parallel_loop(0, LG, 1, unroll=4)
    def _(j):
        acc[pl.ds(j * L, L)] = acc[pl.ds(j * L, L)] / my_len

    pltpu.sync_copy(acc, spmem.at[s])
    plsc.subcore_barrier()

    @pl.when(h == 0)
    def _():
        pltpu.sync_copy(spmem.at[s + 1], buf0.at[0])

        @plsc.parallel_loop(0, LG, 1, unroll=4)
        def _(j):
            acc[pl.ds(j * L, L)] = acc[pl.ds(j * L, L)] + buf0[0, pl.ds(j * L, L)]

        pltpu.sync_copy(acc, out_hbm.at[b])


TR = 2624


def _tc_body(lens_sm, x_ref, o_ref):
    t = pl.program_id(1)

    @pl.when(t == 0)
    def _():
        o_ref[...] = jnp.zeros_like(o_ref)

    o_ref[...] += jnp.sum(x_ref[...], axis=1, keepdims=True)

    @pl.when(t == pl.num_programs(1) - 1)
    def _():
        b = pl.program_id(0)
        lf = lens_sm[b].astype(jnp.float32)
        lf = jnp.where(lf == 0.0, jnp.float32(1.5), lf)
        o_ref[...] = o_ref[...] / lf


def _tc_mean(x, lens):
    return pl.pallas_call(
        _tc_body,
        grid_spec=pltpu.PrefetchScalarGridSpec(
            num_scalar_prefetch=1,
            grid=(B, TTC // TR),
            in_specs=[pl.BlockSpec(
                (1, TR, D), lambda b, t, lens_s: (b, t, 0))],
            out_specs=pl.BlockSpec((1, 1, D), lambda b, t, lens_s: (b, 0, 0)),
        ),
        out_shape=jax.ShapeDtypeStruct((B, 1, D), jnp.float32),
        compiler_params=pltpu.CompilerParams(
            dimension_semantics=("parallel", "arbitrary")),
    )(lens, x).reshape(B, D)


def kernel(x, lens):
    return _sc_mean(x, lens) + _tc_mean(x, lens)


def _sc_mean(x, lens):
    mesh = plsc.VectorSubcoreMesh(core_axis_name="c", subcore_axis_name="s")
    return pl.kernel(
        _body,
        out_type=jax.ShapeDtypeStruct((B, D), jnp.float32),
        mesh=mesh,
        scratch_types=[
            pltpu.VMEM((TCH, D), jnp.float32),
            pltpu.VMEM((TCH, D), jnp.float32),
            pltpu.VMEM((D,), jnp.float32),
            pltpu.VMEM((L,), jnp.int32),
            pltpu.VMEM_SHARED((NS, D), jnp.float32),
            pltpu.SemaphoreType.DMA,
            pltpu.SemaphoreType.DMA,
        ],
    )(x, lens)

# --- scband reference (transcript-rebuilt; emitter-appended) ---
"""Pipeline reference for scband-compressor-57801669869883 (READ-ONLY COPY).

The authoritative reference and input builder live on the scoring server;
editing this copy changes nothing except your own understanding.
"""

import jax, jax.numpy as jnp
import numpy as np


def setup_inputs(seed: int = 0) -> dict:
    key = jax.random.key(seed)
    k1, k2 = jax.random.split(key)
    x = jax.random.normal(k1, (16, 4096, 1024), dtype=jnp.float32)
    lens = jax.random.randint(k2, (16,), 0, 4096, dtype=jnp.int32)
    return {"x": x, "lens": lens}


def reference(x, lens):
    # Compressor.pool with cfg.char_compression.pooling_fn == 'mean' (default).
    # Faithful to the torch code: sum over the padded time dim, divide by lens;
    # lens == 0 is replaced by 1.5 to avoid division by zero (exact torch behavior).
    lens_f = lens.astype(x.dtype)
    lens_f = jnp.where(lens_f == 0.0, jnp.asarray(1.5, dtype=x.dtype), lens_f)
    y = jnp.sum(x, axis=1) / lens_f[:, None]
    return y

if __name__ == "__main__":
    import jax
    _d = setup_inputs()
    print(jax.jit(kernel)(*tuple(_d.values())))

</pallas_src>

<mosaic_0001>
#map = affine_map<(d0, d1) -> (0, 0, 0)>
#map1 = affine_map<(d0, d1) -> (0)>
#map2 = affine_map<(d0, d1) -> (0, 0)>
module attributes {stable_mosaic.version = 14 : i64} {
  func.func @_body(%arg0: i32, %arg1: i32, %arg2: memref<16x4096x1024xf32, #tpu.memory_space<hbm>>, %arg3: memref<16xi32, #tpu.memory_space<hbm>>, %arg4: memref<16x1024xf32, #tpu.memory_space<hbm>>, %arg5: memref<16x1024xf32, #tpu.memory_space<vmem>>, %arg6: memref<16x1024xf32, #tpu.memory_space<vmem>>, %arg7: memref<1024xf32, #tpu.memory_space<vmem>>, %arg8: memref<16xi32, #tpu.memory_space<vmem>>, %arg9: memref<16x1024xf32, #tpu.memory_space<vmem_shared>>, %arg10: memref<!tpu.dma_semaphore, #tpu.memory_space<semaphore_mem>>, %arg11: memref<!tpu.dma_semaphore, #tpu.memory_space<semaphore_mem>>) attributes {dimension_semantics = [#tpu.dimension_semantics<core_parallel>, #tpu.dimension_semantics<subcore_parallel>], iteration_bounds = array<i64: 2, 16>, scalar_prefetch = 0 : i64, scratch_operands = 7 : i64, tpu.core_type = #tpu.core_type<sc_vector_subcore>, window_params = [{transform_indices = #map}, {transform_indices = #map1}, {transform_indices = #map2}]} {
    %mul3A = arith.constant 8 : i32
    %mul3A_0 = arith.muli %arg0, %mul3A : i32
    %jit3A = arith.constant 2 : i32
    %div3A = arith.divsi %arg1, %jit3A : i32
    %sign3A = arith.constant 0 : i32
    %sign3A_1 = arith.cmpi sgt, %arg1, %sign3A : i32
    %sign3A_2 = arith.extui %sign3A_1 : i1 to i32
    %sign3A_3 = arith.constant 0 : i32
    %sign3A_4 = arith.cmpi slt, %arg1, %sign3A_3 : i32
    %sign3A_5 = arith.extui %sign3A_4 : i1 to i32
    %sign3A_6 = arith.subi %sign3A_2, %sign3A_5 : i32
    %sign3A_7 = arith.constant 0 : i32
    %sign3A_8 = arith.cmpi sgt, %jit3A, %sign3A_7 : i32
    %sign3A_9 = arith.extui %sign3A_8 : i1 to i32
    %sign3A_10 = arith.constant 0 : i32
    %sign3A_11 = arith.cmpi slt, %jit3A, %sign3A_10 : i32
    %sign3A_12 = arith.extui %sign3A_11 : i1 to i32
    %sign3A_13 = arith.subi %sign3A_9, %sign3A_12 : i32
    %ne3A = arith.cmpi ne, %sign3A_6, %sign3A_13 : i32
    %rem3A = arith.remsi %arg1, %jit3A : i32
    %ne3A_14 = arith.constant 0 : i32
    %ne3A_15 = arith.cmpi ne, %rem3A, %ne3A_14 : i32
    %and3A = arith.andi %ne3A, %ne3A_15 : i1
    %sub3A = arith.constant 1 : i32
    %sub3A_16 = arith.subi %div3A, %sub3A : i32
    %select_n3A = arith.select %and3A, %sub3A_16, %div3A : i32
    %add3A = arith.addi %mul3A_0, %select_n3A : i32
    %jit3A_17 = arith.constant 2 : i32
    %eq3A = arith.constant 0 : i32
    %eq3A_18 = arith.cmpi eq, %jit3A_17, %eq3A : i32
    %jit3A_19 = arith.constant 1 : i32
    %select_n3A_20 = arith.select %eq3A_18, %jit3A_19, %jit3A_17 : i32
    %rem3A_21 = arith.remsi %arg1, %select_n3A_20 : i32
    %ne3A_22 = arith.constant 0 : i32
    %ne3A_23 = arith.cmpi ne, %rem3A_21, %ne3A_22 : i32
    %lt3A = arith.constant 0 : i32
    %lt3A_24 = arith.cmpi slt, %rem3A_21, %lt3A : i32
    %lt3A_25 = arith.constant 0 : i32
    %lt3A_26 = arith.cmpi slt, %select_n3A_20, %lt3A_25 : i32
    %ne3A_27 = arith.xori %lt3A_24, %lt3A_26 : i1
    %and3A_28 = arith.andi %ne3A_27, %ne3A_23 : i1
    %add3A_29 = arith.addi %rem3A_21, %select_n3A_20 : i32
    %select_n3A_30 = arith.select %and3A_28, %add3A_29, %rem3A_21 : i32
    %mul3A_31 = arith.constant 736 : i32
    %mul3A_32 = arith.muli %select_n3A_30, %mul3A_31 : i32
    %add3A_33 = arith.constant 2624 : i32
    %add3A_34 = arith.addi %add3A_33, %mul3A_32 : i32
    %broadcast_in_dim3A = arith.constant 0.000000e+00 : f32
    %broadcast_in_dim3A_35 = vector.broadcast %broadcast_in_dim3A : f32 to vector<16xf32>
    %parallel_loop3A = arith.constant 0 : i32
    %parallel_loop3A_36 = arith.constant 64 : i32
    %parallel_loop3A_37 = arith.constant 1 : i32
    scf.for %parallel_loop3A_77 = %parallel_loop3A to %parallel_loop3A_36 step %parallel_loop3A_37  : i32 {
      %parallel_loop3A_78 = arith.constant 16 : i32
      %parallel_loop3A_79 = arith.muli %parallel_loop3A_77, %parallel_loop3A_78 : i32
      %parallel_loop3A_80 = arith.index_cast %parallel_loop3A_79 : i32 to index
      %parallel_loop3A_81 = tpu.vector_load %arg7[%parallel_loop3A_80] {strides = array<i32>} : memref<1024xf32, #tpu.memory_space<vmem>>, vector<16xf32>,
      %parallel_loop3A_82 = vector.shape_cast %parallel_loop3A_81 : vector<16xf32> to vector<16xf32>
      %parallel_loop3A_83 = vector.shape_cast %broadcast_in_dim3A_35 : vector<16xf32> to vector<16xf32>
      tpu.vector_store %arg7[%parallel_loop3A_80], %parallel_loop3A_83 {strides = array<i32>} : memref<1024xf32, #tpu.memory_space<vmem>>, vector<16xf32>,
    } {sc.loop_unroll_factor = 4 : i64, sc.parallel_access}
    %add3A_38 = arith.constant 0 : i32
    %add3A_39 = arith.addi %add3A_34, %add3A_38 : i32
    %dma_start3A = arith.constant 0 : i32
    %dma_start3A_40 = tpu.memref_slice %arg2[%add3A, %add3A_39, %dma_start3A] : memref<16x4096x1024xf32, #tpu.memory_space<hbm>> -> memref<1x16x1024xf32, #tpu.memory_space<hbm>>
    %dma_start3A_41 = tpu.memref_squeeze %dma_start3A_40 : memref<1x16x1024xf32, #tpu.memory_space<hbm>> -> memref<16x1024xf32, #tpu.memory_space<hbm>>
    %dma_start3A_42 = arith.constant 0 : i32
    %dma_start3A_43 = tpu.memref_slice %arg2[%add3A, %add3A_39, %dma_start3A_42] : memref<16x4096x1024xf32, #tpu.memory_space<hbm>> -> memref<1x16x1024xf32, #tpu.memory_space<hbm>>
    %dma_start3A_44 = tpu.memref_squeeze %dma_start3A_43 : memref<1x16x1024xf32, #tpu.memory_space<hbm>> -> memref<16x1024xf32, #tpu.memory_space<hbm>>
    tpu.enqueue_dma source(%dma_start3A_44 : memref<16x1024xf32, #tpu.memory_space<hbm>>) target(%arg5 : memref<16x1024xf32, #tpu.memory_space<vmem>>) target_semaphore(%arg10 : memref<!tpu.dma_semaphore, #tpu.memory_space<semaphore_mem>>)
    %add3A_45 = arith.constant 16 : i32
    %add3A_46 = arith.addi %add3A_34, %add3A_45 : i32
    %dma_start3A_47 = arith.constant 0 : i32
    %dma_start3A_48 = tpu.memref_slice %arg2[%add3A, %add3A_46, %dma_start3A_47] : memref<16x4096x1024xf32, #tpu.memory_space<hbm>> -> memref<1x16x1024xf32, #tpu.memory_space<hbm>>
    %dma_start3A_49 = tpu.memref_squeeze %dma_start3A_48 : memref<1x16x1024xf32, #tpu.memory_space<hbm>> -> memref<16x1024xf32, #tpu.memory_space<hbm>>
    %dma_start3A_50 = arith.constant 0 : i32
    %dma_start3A_51 = tpu.memref_slice %arg2[%add3A, %add3A_46, %dma_start3A_50] : memref<16x4096x1024xf32, #tpu.memory_space<hbm>> -> memref<1x16x1024xf32, #tpu.memory_space<hbm>>
    %dma_start3A_52 = tpu.memref_squeeze %dma_start3A_51 : memref<1x16x1024xf32, #tpu.memory_space<hbm>> -> memref<16x1024xf32, #tpu.memory_space<hbm>>
    tpu.enqueue_dma source(%dma_start3A_52 : memref<16x1024xf32, #tpu.memory_space<hbm>>) target(%arg6 : memref<16x1024xf32, #tpu.memory_space<vmem>>) target_semaphore(%arg11 : memref<!tpu.dma_semaphore, #tpu.memory_space<semaphore_mem>>)
    %scan3A = arith.constant 0 : i32
    %scan3A_53 = arith.constant 0 : i32
    %scan3A_54 = arith.constant 23 : i32
    %scan3A_55 = arith.addi %scan3A_53, %scan3A_54 : i32
    %scan3A_56 = arith.constant 1 : i32
    %scan3A_57 = scf.for %scan3A_77 = %scan3A_53 to %scan3A_55 step %scan3A_56 iter_args(%scan3A_78 = %scan3A) -> (i32)  : i32 {
      %mul3A_79 = arith.constant 2 : i32
      %mul3A_80 = arith.muli %mul3A_79, %scan3A_77 : i32
      %mul3A_81 = arith.constant 16 : i32
      %mul3A_82 = arith.muli %mul3A_80, %mul3A_81 : i32
      %add3A_83 = arith.addi %add3A_34, %mul3A_82 : i32
      %dma_wait3A = arith.constant 0 : i32
      %dma_wait3A_84 = tpu.memref_slice %arg2[%add3A, %add3A_83, %dma_wait3A] : memref<16x4096x1024xf32, #tpu.memory_space<hbm>> -> memref<1x16x1024xf32, #tpu.memory_space<hbm>>
      %dma_wait3A_85 = tpu.memref_squeeze %dma_wait3A_84 : memref<1x16x1024xf32, #tpu.memory_space<hbm>> -> memref<16x1024xf32, #tpu.memory_space<hbm>>
      %dma_wait3A_86 = arith.constant 0 : i32
      %dma_wait3A_87 = tpu.memref_slice %arg2[%add3A, %add3A_83, %dma_wait3A_86] : memref<16x4096x1024xf32, #tpu.memory_space<hbm>> -> memref<1x16x1024xf32, #tpu.memory_space<hbm>>
      %dma_wait3A_88 = tpu.memref_squeeze %dma_wait3A_87 : memref<1x16x1024xf32, #tpu.memory_space<hbm>> -> memref<16x1024xf32, #tpu.memory_space<hbm>>
      tpu.wait_dma2 semaphore(%arg10 : memref<!tpu.dma_semaphore, #tpu.memory_space<semaphore_mem>>) src(%dma_wait3A_88 : memref<16x1024xf32, #tpu.memory_space<hbm>>) dst(%arg5 : memref<16x1024xf32, #tpu.memory_space<vmem>>)
      %parallel_loop3A_89 = arith.constant 0 : i32
      %parallel_loop3A_90 = arith.constant 64 : i32
      %parallel_loop3A_91 = arith.constant 1 : i32
      scf.for %parallel_loop3A_121 = %parallel_loop3A_89 to %parallel_loop3A_90 step %parallel_loop3A_91  : i32 {
        %parallel_loop3A_122 = arith.constant 16 : i32
        %parallel_loop3A_123 = arith.muli %parallel_loop3A_121, %parallel_loop3A_122 : i32
        %parallel_loop3A_124 = arith.index_cast %parallel_loop3A_123 : i32 to index
        %parallel_loop3A_125 = tpu.vector_load %arg7[%parallel_loop3A_124] {strides = array<i32>} : memref<1024xf32, #tpu.memory_space<vmem>>, vector<16xf32>,
        %parallel_loop3A_126 = vector.shape_cast %parallel_loop3A_125 : vector<16xf32> to vector<16xf32>
        %parallel_loop3A_127 = arith.constant 0 : i32
        %parallel_loop3A_128 = arith.index_cast %parallel_loop3A_127 : i32 to index
        %parallel_loop3A_129 = arith.index_cast %parallel_loop3A_123 : i32 to index
        %parallel_loop3A_130 = tpu.vector_load %arg5[%parallel_loop3A_128, %parallel_loop3A_129] {strides = array<i32>} : memref<16x1024xf32, #tpu.memory_space<vmem>>, vector<1x16xf32>,
        %parallel_loop3A_131 = vector.shape_cast %parallel_loop3A_130 : vector<1x16xf32> to vector<16xf32>
        %parallel_loop3A_132 = arith.constant 1 : i32
        %parallel_loop3A_133 = arith.index_cast %parallel_loop3A_132 : i32 to index
        %parallel_loop3A_134 = arith.index_cast %parallel_loop3A_123 : i32 to index
        %parallel_loop3A_135 = tpu.vector_load %arg5[%parallel_loop3A_133, %parallel_loop3A_134] {strides = array<i32>} : memref<16x1024xf32, #tpu.memory_space<vmem>>, vector<1x16xf32>,
        %parallel_loop3A_136 = vector.shape_cast %parallel_loop3A_135 : vector<1x16xf32> to vector<16xf32>
        %parallel_loop3A_137 = arith.constant 2 : i32
        %parallel_loop3A_138 = arith.index_cast %parallel_loop3A_137 : i32 to index
        %parallel_loop3A_139 = arith.index_cast %parallel_loop3A_123 : i32 to index
        %parallel_loop3A_140 = tpu.vector_load %arg5[%parallel_loop3A_138, %parallel_loop3A_139] {strides = array<i32>} : memref<16x1024xf32, #tpu.memory_space<vmem>>, vector<1x16xf32>,
        %parallel_loop3A_141 = vector.shape_cast %parallel_loop3A_140 : vector<1x16xf32> to vector<16xf32>
        %parallel_loop3A_142 = arith.constant 3 : i32
        %parallel_loop3A_143 = arith.index_cast %parallel_loop3A_142 : i32 to index
        %parallel_loop3A_144 = arith.index_cast %parallel_loop3A_123 : i32 to index
        %parallel_loop3A_145 = tpu.vector_load %arg5[%parallel_loop3A_143, %parallel_loop3A_144] {strides = array<i32>} : memref<16x1024xf32, #tpu.memory_space<vmem>>, vector<1x16xf32>,
        %parallel_loop3A_146 = vector.shape_cast %parallel_loop3A_145 : vector<1x16xf32> to vector<16xf32>
        %parallel_loop3A_147 = arith.constant 4 : i32
        %parallel_loop3A_148 = arith.index_cast %parallel_loop3A_147 : i32 to index
        %parallel_loop3A_149 = arith.index_cast %parallel_loop3A_123 : i32 to index
        %parallel_loop3A_150 = tpu.vector_load %arg5[%parallel_loop3A_148, %parallel_loop3A_149] {strides = array<i32>} : memref<16x1024xf32, #tpu.memory_space<vmem>>, vector<1x16xf32>,
        %parallel_loop3A_151 = vector.shape_cast %parallel_loop3A_150 : vector<1x16xf32> to vector<16xf32>
        %parallel_loop3A_152 = arith.constant 5 : i32
        %parallel_loop3A_153 = arith.index_cast %parallel_loop3A_152 : i32 to index
        %parallel_loop3A_154 = arith.index_cast %parallel_loop3A_123 : i32 to index
        %parallel_loop3A_155 = tpu.vector_load %arg5[%parallel_loop3A_153, %parallel_loop3A_154] {strides = array<i32>} : memref<16x1024xf32, #tpu.memory_space<vmem>>, vector<1x16xf32>,
        %parallel_loop3A_156 = vector.shape_cast %parallel_loop3A_155 : vector<1x16xf32> to vector<16xf32>
        %parallel_loop3A_157 = arith.constant 6 : i32
        %parallel_loop3A_158 = arith.index_cast %parallel_loop3A_157 : i32 to index
        %parallel_loop3A_159 = arith.index_cast %parallel_loop3A_123 : i32 to index
        %parallel_loop3A_160 = tpu.vector_load %arg5[%parallel_loop3A_158, %parallel_loop3A_159] {strides = array<i32>} : memref<16x1024xf32, #tpu.memory_space<vmem>>, vector<1x16xf32>,
        %parallel_loop3A_161 = vector.shape_cast %parallel_loop3A_160 : vector<1x16xf32> to vector<16xf32>
        %parallel_loop3A_162 = arith.constant 7 : i32
        %parallel_loop3A_163 = arith.index_cast %parallel_loop3A_162 : i32 to index
        %parallel_loop3A_164 = arith.index_cast %parallel_loop3A_123 : i32 to index
        %parallel_loop3A_165 = tpu.vector_load %arg5[%parallel_loop3A_163, %parallel_loop3A_164] {strides = array<i32>} : memref<16x1024xf32, #tpu.memory_space<vmem>>, vector<1x16xf32>,
        %parallel_loop3A_166 = vector.shape_cast %parallel_loop3A_165 : vector<1x16xf32> to vector<16xf32>
        %parallel_loop3A_167 = arith.constant 8 : i32
        %parallel_loop3A_168 = arith.index_cast %parallel_loop3A_167 : i32 to index
        %parallel_loop3A_169 = arith.index_cast %parallel_loop3A_123 : i32 to index
        %parallel_loop3A_170 = tpu.vector_load %arg5[%parallel_loop3A_168, %parallel_loop3A_169] {strides = array<i32>} : memref<16x1024xf32, #tpu.memory_space<vmem>>, vector<1x16xf32>,
        %parallel_loop3A_171 = vector.shape_cast %parallel_loop3A_170 : vector<1x16xf32> to vector<16xf32>
        %parallel_loop3A_172 = arith.constant 9 : i32
        %parallel_loop3A_173 = arith.index_cast %parallel_loop3A_172 : i32 to index
        %parallel_loop3A_174 = arith.index_cast %parallel_loop3A_123 : i32 to index
        %parallel_loop3A_175 = tpu.vector_load %arg5[%parallel_loop3A_173, %parallel_loop3A_174] {strides = array<i32>} : memref<16x1024xf32, #tpu.memory_space<vmem>>, vector<1x16xf32>,
        %parallel_loop3A_176 = vector.shape_cast %parallel_loop3A_175 : vector<1x16xf32> to vector<16xf32>
        %parallel_loop3A_177 = arith.constant 10 : i32
        %parallel_loop3A_178 = arith.index_cast %parallel_loop3A_177 : i32 to index
        %parallel_loop3A_179 = arith.index_cast %parallel_loop3A_123 : i32 to index
        %parallel_loop3A_180 = tpu.vector_load %arg5[%parallel_loop3A_178, %parallel_loop3A_179] {strides = array<i32>} : memref<16x1024xf32, #tpu.memory_space<vmem>>, vector<1x16xf32>,
        %parallel_loop3A_181 = vector.shape_cast %parallel_loop3A_180 : vector<1x16xf32> to vector<16xf32>
        %parallel_loop3A_182 = arith.constant 11 : i32
        %parallel_loop3A_183 = arith.index_cast %parallel_loop3A_182 : i32 to index
        %parallel_loop3A_184 = arith.index_cast %parallel_loop3A_123 : i32 to index
        %parallel_loop3A_185 = tpu.vector_load %arg5[%parallel_loop3A_183, %parallel_loop3A_184] {strides = array<i32>} : memref<16x1024xf32, #tpu.memory_space<vmem>>, vector<1x16xf32>,
        %parallel_loop3A_186 = vector.shape_cast %parallel_loop3A_185 : vector<1x16xf32> to vector<16xf32>
        %parallel_loop3A_187 = arith.constant 12 : i32
        %parallel_loop3A_188 = arith.index_cast %parallel_loop3A_187 : i32 to index
        %parallel_loop3A_189 = arith.index_cast %parallel_loop3A_123 : i32 to index
        %parallel_loop3A_190 = tpu.vector_load %arg5[%parallel_loop3A_188, %parallel_loop3A_189] {strides = array<i32>} : memref<16x1024xf32, #tpu.memory_space<vmem>>, vector<1x16xf32>,
        %parallel_loop3A_191 = vector.shape_cast %parallel_loop3A_190 : vector<1x16xf32> to vector<16xf32>
        %parallel_loop3A_192 = arith.constant 13 : i32
        %parallel_loop3A_193 = arith.index_cast %parallel_loop3A_192 : i32 to index
        %parallel_loop3A_194 = arith.index_cast %parallel_loop3A_123 : i32 to index
        %parallel_loop3A_195 = tpu.vector_load %arg5[%parallel_loop3A_193, %parallel_loop3A_194] {strides = array<i32>} : memref<16x1024xf32, #tpu.memory_space<vmem>>, vector<1x16xf32>,
        %parallel_loop3A_196 = vector.shape_cast %parallel_loop3A_195 : vector<1x16xf32> to vector<16xf32>
        %parallel_loop3A_197 = arith.constant 14 : i32
        %parallel_loop3A_198 = arith.index_cast %parallel_loop3A_197 : i32 to index
        %parallel_loop3A_199 = arith.index_cast %parallel_loop3A_123 : i32 to index
        %parallel_loop3A_200 = tpu.vector_load %arg5[%parallel_loop3A_198, %parallel_loop3A_199] {strides = array<i32>} : memref<16x1024xf32, #tpu.memory_space<vmem>>, vector<1x16xf32>,
        %parallel_loop3A_201 = vector.shape_cast %parallel_loop3A_200 : vector<1x16xf32> to vector<16xf32>
        %parallel_loop3A_202 = arith.constant 15 : i32
        %parallel_loop3A_203 = arith.index_cast %parallel_loop3A_202 : i32 to index
        %parallel_loop3A_204 = arith.index_cast %parallel_loop3A_123 : i32 to index
        %parallel_loop3A_205 = tpu.vector_load %arg5[%parallel_loop3A_203, %parallel_loop3A_204] {strides = array<i32>} : memref<16x1024xf32, #tpu.memory_space<vmem>>, vector<1x16xf32>,
        %parallel_loop3A_206 = vector.shape_cast %parallel_loop3A_205 : vector<1x16xf32> to vector<16xf32>
        %parallel_loop3A_207 = arith.addf %parallel_loop3A_131, %parallel_loop3A_136 : vector<16xf32>
        %parallel_loop3A_208 = arith.addf %parallel_loop3A_141, %parallel_loop3A_146 : vector<16xf32>
        %parallel_loop3A_209 = arith.addf %parallel_loop3A_151, %parallel_loop3A_156 : vector<16xf32>
        %parallel_loop3A_210 = arith.addf %parallel_loop3A_161, %parallel_loop3A_166 : vector<16xf32>
        %parallel_loop3A_211 = arith.addf %parallel_loop3A_171, %parallel_loop3A_176 : vector<16xf32>
        %parallel_loop3A_212 = arith.addf %parallel_loop3A_181, %parallel_loop3A_186 : vector<16xf32>
        %parallel_loop3A_213 = arith.addf %parallel_loop3A_191, %parallel_loop3A_196 : vector<16xf32>
        %parallel_loop3A_214 = arith.addf %parallel_loop3A_201, %parallel_loop3A_206 : vector<16xf32>
        %parallel_loop3A_215 = arith.addf %parallel_loop3A_207, %parallel_loop3A_208 : vector<16xf32>
        %parallel_loop3A_216 = arith.addf %parallel_loop3A_209, %parallel_loop3A_210 : vector<16xf32>
        %parallel_loop3A_217 = arith.addf %parallel_loop3A_211, %parallel_loop3A_212 : vector<16xf32>
        %parallel_loop3A_218 = arith.addf %parallel_loop3A_213, %parallel_loop3A_214 : vector<16xf32>
        %parallel_loop3A_219 = arith.addf %parallel_loop3A_215, %parallel_loop3A_216 : vector<16xf32>
        %parallel_loop3A_220 = arith.addf %parallel_loop3A_217, %parallel_loop3A_218 : vector<16xf32>
        %parallel_loop3A_221 = arith.addf %parallel_loop3A_219, %parallel_loop3A_220 : vector<16xf32>
        %parallel_loop3A_222 = arith.addf %parallel_loop3A_126, %parallel_loop3A_221 : vector<16xf32>
        %parallel_loop3A_223 = arith.index_cast %parallel_loop3A_123 : i32 to index
        %parallel_loop3A_224 = tpu.vector_load %arg7[%parallel_loop3A_223] {strides = array<i32>} : memref<1024xf32, #tpu.memory_space<vmem>>, vector<16xf32>,
        %parallel_loop3A_225 = vector.shape_cast %parallel_loop3A_224 : vector<16xf32> to vector<16xf32>
        %parallel_loop3A_226 = vector.shape_cast %parallel_loop3A_222 : vector<16xf32> to vector<16xf32>
        tpu.vector_store %arg7[%parallel_loop3A_223], %parallel_loop3A_226 {strides = array<i32>} : memref<1024xf32, #tpu.memory_space<vmem>>, vector<16xf32>,
      } {sc.loop_unroll_factor = 4 : i64, sc.parallel_access}
      %add3A_92 = arith.constant 2 : i32
      %add3A_93 = arith.addi %mul3A_80, %add3A_92 : i32
      %lt3A_94 = arith.constant 46 : i32
      %lt3A_95 = arith.cmpi slt, %add3A_93, %lt3A_94 : i32
      %convert_element_type3A_96 = arith.extui %lt3A_95 : i1 to i32
      %cond3A_97 = arith.constant 0 : i32
      %cond3A_98 = arith.cmpi ne, %convert_element_type3A_96, %cond3A_97 : i32
      scf.if %cond3A_98 {
        %add3A_121 = arith.constant 2 : i32
        %add3A_122 = arith.addi %mul3A_80, %add3A_121 : i32
        %mul3A_123 = arith.constant 16 : i32
        %mul3A_124 = arith.muli %add3A_122, %mul3A_123 : i32
        %add3A_125 = arith.addi %add3A_34, %mul3A_124 : i32
        %dma_start3A_126 = arith.constant 0 : i32
        %dma_start3A_127 = tpu.memref_slice %arg2[%add3A, %add3A_125, %dma_start3A_126] : memref<16x4096x1024xf32, #tpu.memory_space<hbm>> -> memref<1x16x1024xf32, #tpu.memory_space<hbm>>
        %dma_start3A_128 = tpu.memref_squeeze %dma_start3A_127 : memref<1x16x1024xf32, #tpu.memory_space<hbm>> -> memref<16x1024xf32, #tpu.memory_space<hbm>>
        %dma_start3A_129 = arith.constant 0 : i32
        %dma_start3A_130 = tpu.memref_slice %arg2[%add3A, %add3A_125, %dma_start3A_129] : memref<16x4096x1024xf32, #tpu.memory_space<hbm>> -> memref<1x16x1024xf32, #tpu.memory_space<hbm>>
        %dma_start3A_131 = tpu.memref_squeeze %dma_start3A_130 : memref<1x16x1024xf32, #tpu.memory_space<hbm>> -> memref<16x1024xf32, #tpu.memory_space<hbm>>
        tpu.enqueue_dma source(%dma_start3A_131 : memref<16x1024xf32, #tpu.memory_space<hbm>>) target(%arg5 : memref<16x1024xf32, #tpu.memory_space<vmem>>) target_semaphore(%arg10 : memref<!tpu.dma_semaphore, #tpu.memory_space<semaphore_mem>>)
      } else {
      }
      %add3A_99 = arith.constant 1 : i32
      %add3A_100 = arith.addi %mul3A_80, %add3A_99 : i32
      %mul3A_101 = arith.constant 16 : i32
      %mul3A_102 = arith.muli %add3A_100, %mul3A_101 : i32
      %add3A_103 = arith.addi %add3A_34, %mul3A_102 : i32
      %dma_wait3A_104 = arith.constant 0 : i32
      %dma_wait3A_105 = tpu.memref_slice %arg2[%add3A, %add3A_103, %dma_wait3A_104] : memref<16x4096x1024xf32, #tpu.memory_space<hbm>> -> memref<1x16x1024xf32, #tpu.memory_space<hbm>>
      %dma_wait3A_106 = tpu.memref_squeeze %dma_wait3A_105 : memref<1x16x1024xf32, #tpu.memory_space<hbm>> -> memref<16x1024xf32, #tpu.memory_space<hbm>>
      %dma_wait3A_107 = arith.constant 0 : i32
      %dma_wait3A_108 = tpu.memref_slice %arg2[%add3A, %add3A_103, %dma_wait3A_107] : memref<16x4096x1024xf32, #tpu.memory_space<hbm>> -> memref<1x16x1024xf32, #tpu.memory_space<hbm>>
      %dma_wait3A_109 = tpu.memref_squeeze %dma_wait3A_108 : memref<1x16x1024xf32, #tpu.memory_space<hbm>> -> memref<16x1024xf32, #tpu.memory_space<hbm>>
      tpu.wait_dma2 semaphore(%arg11 : memref<!tpu.dma_semaphore, #tpu.memory_space<semaphore_mem>>) src(%dma_wait3A_109 : memref<16x1024xf32, #tpu.memory_space<hbm>>) dst(%arg6 : memref<16x1024xf32, #tpu.memory_space<vmem>>)
      %parallel_loop3A_110 = arith.constant 0 : i32
      %parallel_loop3A_111 = arith.constant 64 : i32
      %parallel_loop3A_112 = arith.constant 1 : i32
      scf.for %parallel_loop3A_121 = %parallel_loop3A_110 to %parallel_loop3A_111 step %parallel_loop3A_112  : i32 {
        %parallel_loop3A_122 = arith.constant 16 : i32
        %parallel_loop3A_123 = arith.muli %parallel_loop3A_121, %parallel_loop3A_122 : i32
        %parallel_loop3A_124 = arith.index_cast %parallel_loop3A_123 : i32 to index
        %parallel_loop3A_125 = tpu.vector_load %arg7[%parallel_loop3A_124] {strides = array<i32>} : memref<1024xf32, #tpu.memory_space<vmem>>, vector<16xf32>,
        %parallel_loop3A_126 = vector.shape_cast %parallel_loop3A_125 : vector<16xf32> to vector<16xf32>
        %parallel_loop3A_127 = arith.constant 0 : i32
        %parallel_loop3A_128 = arith.index_cast %parallel_loop3A_127 : i32 to index
        %parallel_loop3A_129 = arith.index_cast %parallel_loop3A_123 : i32 to index
        %parallel_loop3A_130 = tpu.vector_load %arg6[%parallel_loop3A_128, %parallel_loop3A_129] {strides = array<i32>} : memref<16x1024xf32, #tpu.memory_space<vmem>>, vector<1x16xf32>,
        %parallel_loop3A_131 = vector.shape_cast %parallel_loop3A_130 : vector<1x16xf32> to vector<16xf32>
        %parallel_loop3A_132 = arith.constant 1 : i32
        %parallel_loop3A_133 = arith.index_cast %parallel_loop3A_132 : i32 to index
        %parallel_loop3A_134 = arith.index_cast %parallel_loop3A_123 : i32 to index
        %parallel_loop3A_135 = tpu.vector_load %arg6[%parallel_loop3A_133, %parallel_loop3A_134] {strides = array<i32>} : memref<16x1024xf32, #tpu.memory_space<vmem>>, vector<1x16xf32>,
        %parallel_loop3A_136 = vector.shape_cast %parallel_loop3A_135 : vector<1x16xf32> to vector<16xf32>
        %parallel_loop3A_137 = arith.constant 2 : i32
        %parallel_loop3A_138 = arith.index_cast %parallel_loop3A_137 : i32 to index
        %parallel_loop3A_139 = arith.index_cast %parallel_loop3A_123 : i32 to index
        %parallel_loop3A_140 = tpu.vector_load %arg6[%parallel_loop3A_138, %parallel_loop3A_139] {strides = array<i32>} : memref<16x1024xf32, #tpu.memory_space<vmem>>, vector<1x16xf32>,
        %parallel_loop3A_141 = vector.shape_cast %parallel_loop3A_140 : vector<1x16xf32> to vector<16xf32>
        %parallel_loop3A_142 = arith.constant 3 : i32
        %parallel_loop3A_143 = arith.index_cast %parallel_loop3A_142 : i32 to index
        %parallel_loop3A_144 = arith.index_cast %parallel_loop3A_123 : i32 to index
        %parallel_loop3A_145 = tpu.vector_load %arg6[%parallel_loop3A_143, %parallel_loop3A_144] {strides = array<i32>} : memref<16x1024xf32, #tpu.memory_space<vmem>>, vector<1x16xf32>,
        %parallel_loop3A_146 = vector.shape_cast %parallel_loop3A_145 : vector<1x16xf32> to vector<16xf32>
        %parallel_loop3A_147 = arith.constant 4 : i32
        %parallel_loop3A_148 = arith.index_cast %parallel_loop3A_147 : i32 to index
        %parallel_loop3A_149 = arith.index_cast %parallel_loop3A_123 : i32 to index
        %parallel_loop3A_150 = tpu.vector_load %arg6[%parallel_loop3A_148, %parallel_loop3A_149] {strides = array<i32>} : memref<16x1024xf32, #tpu.memory_space<vmem>>, vector<1x16xf32>,
        %parallel_loop3A_151 = vector.shape_cast %parallel_loop3A_150 : vector<1x16xf32> to vector<16xf32>
        %parallel_loop3A_152 = arith.constant 5 : i32
        %parallel_loop3A_153 = arith.index_cast %parallel_loop3A_152 : i32 to index
        %parallel_loop3A_154 = arith.index_cast %parallel_loop3A_123 : i32 to index
        %parallel_loop3A_155 = tpu.vector_load %arg6[%parallel_loop3A_153, %parallel_loop3A_154] {strides = array<i32>} : memref<16x1024xf32, #tpu.memory_space<vmem>>, vector<1x16xf32>,
        %parallel_loop3A_156 = vector.shape_cast %parallel_loop3A_155 : vector<1x16xf32> to vector<16xf32>
        %parallel_loop3A_157 = arith.constant 6 : i32
        %parallel_loop3A_158 = arith.index_cast %parallel_loop3A_157 : i32 to index
        %parallel_loop3A_159 = arith.index_cast %parallel_loop3A_123 : i32 to index
        %parallel_loop3A_160 = tpu.vector_load %arg6[%parallel_loop3A_158, %parallel_loop3A_159] {strides = array<i32>} : memref<16x1024xf32, #tpu.memory_space<vmem>>, vector<1x16xf32>,
        %parallel_loop3A_161 = vector.shape_cast %parallel_loop3A_160 : vector<1x16xf32> to vector<16xf32>
        %parallel_loop3A_162 = arith.constant 7 : i32
        %parallel_loop3A_163 = arith.index_cast %parallel_loop3A_162 : i32 to index
        %parallel_loop3A_164 = arith.index_cast %parallel_loop3A_123 : i32 to index
        %parallel_loop3A_165 = tpu.vector_load %arg6[%parallel_loop3A_163, %parallel_loop3A_164] {strides = array<i32>} : memref<16x1024xf32, #tpu.memory_space<vmem>>, vector<1x16xf32>,
        %parallel_loop3A_166 = vector.shape_cast %parallel_loop3A_165 : vector<1x16xf32> to vector<16xf32>
        %parallel_loop3A_167 = arith.constant 8 : i32
        %parallel_loop3A_168 = arith.index_cast %parallel_loop3A_167 : i32 to index
        %parallel_loop3A_169 = arith.index_cast %parallel_loop3A_123 : i32 to index
        %parallel_loop3A_170 = tpu.vector_load %arg6[%parallel_loop3A_168, %parallel_loop3A_169] {strides = array<i32>} : memref<16x1024xf32, #tpu.memory_space<vmem>>, vector<1x16xf32>,
        %parallel_loop3A_171 = vector.shape_cast %parallel_loop3A_170 : vector<1x16xf32> to vector<16xf32>
        %parallel_loop3A_172 = arith.constant 9 : i32
        %parallel_loop3A_173 = arith.index_cast %parallel_loop3A_172 : i32 to index
        %parallel_loop3A_174 = arith.index_cast %parallel_loop3A_123 : i32 to index
        %parallel_loop3A_175 = tpu.vector_load %arg6[%parallel_loop3A_173, %parallel_loop3A_174] {strides = array<i32>} : memref<16x1024xf32, #tpu.memory_space<vmem>>, vector<1x16xf32>,
        %parallel_loop3A_176 = vector.shape_cast %parallel_loop3A_175 : vector<1x16xf32> to vector<16xf32>
        %parallel_loop3A_177 = arith.constant 10 : i32
        %parallel_loop3A_178 = arith.index_cast %parallel_loop3A_177 : i32 to index
        %parallel_loop3A_179 = arith.index_cast %parallel_loop3A_123 : i32 to index
        %parallel_loop3A_180 = tpu.vector_load %arg6[%parallel_loop3A_178, %parallel_loop3A_179] {strides = array<i32>} : memref<16x1024xf32, #tpu.memory_space<vmem>>, vector<1x16xf32>,
        %parallel_loop3A_181 = vector.shape_cast %parallel_loop3A_180 : vector<1x16xf32> to vector<16xf32>
        %parallel_loop3A_182 = arith.constant 11 : i32
        %parallel_loop3A_183 = arith.index_cast %parallel_loop3A_182 : i32 to index
        %parallel_loop3A_184 = arith.index_cast %parallel_loop3A_123 : i32 to index
        %parallel_loop3A_185 = tpu.vector_load %arg6[%parallel_loop3A_183, %parallel_loop3A_184] {strides = array<i32>} : memref<16x1024xf32, #tpu.memory_space<vmem>>, vector<1x16xf32>,
        %parallel_loop3A_186 = vector.shape_cast %parallel_loop3A_185 : vector<1x16xf32> to vector<16xf32>
        %parallel_loop3A_187 = arith.constant 12 : i32
        %parallel_loop3A_188 = arith.index_cast %parallel_loop3A_187 : i32 to index
        %parallel_loop3A_189 = arith.index_cast %parallel_loop3A_123 : i32 to index
        %parallel_loop3A_190 = tpu.vector_load %arg6[%parallel_loop3A_188, %parallel_loop3A_189] {strides = array<i32>} : memref<16x1024xf32, #tpu.memory_space<vmem>>, vector<1x16xf32>,
        %parallel_loop3A_191 = vector.shape_cast %parallel_loop3A_190 : vector<1x16xf32> to vector<16xf32>
        %parallel_loop3A_192 = arith.constant 13 : i32
        %parallel_loop3A_193 = arith.index_cast %parallel_loop3A_192 : i32 to index
        %parallel_loop3A_194 = arith.index_cast %parallel_loop3A_123 : i32 to index
        %parallel_loop3A_195 = tpu.vector_load %arg6[%parallel_loop3A_193, %parallel_loop3A_194] {strides = array<i32>} : memref<16x1024xf32, #tpu.memory_space<vmem>>, vector<1x16xf32>,
        %parallel_loop3A_196 = vector.shape_cast %parallel_loop3A_195 : vector<1x16xf32> to vector<16xf32>
        %parallel_loop3A_197 = arith.constant 14 : i32
        %parallel_loop3A_198 = arith.index_cast %parallel_loop3A_197 : i32 to index
        %parallel_loop3A_199 = arith.index_cast %parallel_loop3A_123 : i32 to index
        %parallel_loop3A_200 = tpu.vector_load %arg6[%parallel_loop3A_198, %parallel_loop3A_199] {strides = array<i32>} : memref<16x1024xf32, #tpu.memory_space<vmem>>, vector<1x16xf32>,
        %parallel_loop3A_201 = vector.shape_cast %parallel_loop3A_200 : vector<1x16xf32> to vector<16xf32>
        %parallel_loop3A_202 = arith.constant 15 : i32
        %parallel_loop3A_203 = arith.index_cast %parallel_loop3A_202 : i32 to index
        %parallel_loop3A_204 = arith.index_cast %parallel_loop3A_123 : i32 to index
        %parallel_loop3A_205 = tpu.vector_load %arg6[%parallel_loop3A_203, %parallel_loop3A_204] {strides = array<i32>} : memref<16x1024xf32, #tpu.memory_space<vmem>>, vector<1x16xf32>,
        %parallel_loop3A_206 = vector.shape_cast %parallel_loop3A_205 : vector<1x16xf32> to vector<16xf32>
        %parallel_loop3A_207 = arith.addf %parallel_loop3A_131, %parallel_loop3A_136 : vector<16xf32>
        %parallel_loop3A_208 = arith.addf %parallel_loop3A_141, %parallel_loop3A_146 : vector<16xf32>
        %parallel_loop3A_209 = arith.addf %parallel_loop3A_151, %parallel_loop3A_156 : vector<16xf32>
        %parallel_loop3A_210 = arith.addf %parallel_loop3A_161, %parallel_loop3A_166 : vector<16xf32>
        %parallel_loop3A_211 = arith.addf %parallel_loop3A_171, %parallel_loop3A_176 : vector<16xf32>
        %parallel_loop3A_212 = arith.addf %parallel_loop3A_181, %parallel_loop3A_186 : vector<16xf32>
        %parallel_loop3A_213 = arith.addf %parallel_loop3A_191, %parallel_loop3A_196 : vector<16xf32>
        %parallel_loop3A_214 = arith.addf %parallel_loop3A_201, %parallel_loop3A_206 : vector<16xf32>
        %parallel_loop3A_215 = arith.addf %parallel_loop3A_207, %parallel_loop3A_208 : vector<16xf32>
        %parallel_loop3A_216 = arith.addf %parallel_loop3A_209, %parallel_loop3A_210 : vector<16xf32>
        %parallel_loop3A_217 = arith.addf %parallel_loop3A_211, %parallel_loop3A_212 : vector<16xf32>
        %parallel_loop3A_218 = arith.addf %parallel_loop3A_213, %parallel_loop3A_214 : vector<16xf32>
        %parallel_loop3A_219 = arith.addf %parallel_loop3A_215, %parallel_loop3A_216 : vector<16xf32>
        %parallel_loop3A_220 = arith.addf %parallel_loop3A_217, %parallel_loop3A_218 : vector<16xf32>
        %parallel_loop3A_221 = arith.addf %parallel_loop3A_219, %parallel_loop3A_220 : vector<16xf32>
        %parallel_loop3A_222 = arith.addf %parallel_loop3A_126, %parallel_loop3A_221 : vector<16xf32>
        %parallel_loop3A_223 = arith.index_cast %parallel_loop3A_123 : i32 to index
        %parallel_loop3A_224 = tpu.vector_load %arg7[%parallel_loop3A_223] {strides = array<i32>} : memref<1024xf32, #tpu.memory_space<vmem>>, vector<16xf32>,
        %parallel_loop3A_225 = vector.shape_cast %parallel_loop3A_224 : vector<16xf32> to vector<16xf32>
        %parallel_loop3A_226 = vector.shape_cast %parallel_loop3A_222 : vector<16xf32> to vector<16xf32>
        tpu.vector_store %arg7[%parallel_loop3A_223], %parallel_loop3A_226 {strides = array<i32>} : memref<1024xf32, #tpu.memory_space<vmem>>, vector<16xf32>,
      } {sc.loop_unroll_factor = 4 : i64, sc.parallel_access}
      %add3A_113 = arith.constant 3 : i32
      %add3A_114 = arith.addi %mul3A_80, %add3A_113 : i32
      %lt3A_115 = arith.constant 46 : i32
      %lt3A_116 = arith.cmpi slt, %add3A_114, %lt3A_115 : i32
      %convert_element_type3A_117 = arith.extui %lt3A_116 : i1 to i32
      %cond3A_118 = arith.constant 0 : i32
      %cond3A_119 = arith.cmpi ne, %convert_element_type3A_117, %cond3A_118 : i32
      scf.if %cond3A_119 {
        %add3A_121 = arith.constant 3 : i32
        %add3A_122 = arith.addi %mul3A_80, %add3A_121 : i32
        %mul3A_123 = arith.constant 16 : i32
        %mul3A_124 = arith.muli %add3A_122, %mul3A_123 : i32
        %add3A_125 = arith.addi %add3A_34, %mul3A_124 : i32
        %dma_start3A_126 = arith.constant 0 : i32
        %dma_start3A_127 = tpu.memref_slice %arg2[%add3A, %add3A_125, %dma_start3A_126] : memref<16x4096x1024xf32, #tpu.memory_space<hbm>> -> memref<1x16x1024xf32, #tpu.memory_space<hbm>>
        %dma_start3A_128 = tpu.memref_squeeze %dma_start3A_127 : memref<1x16x1024xf32, #tpu.memory_space<hbm>> -> memref<16x1024xf32, #tpu.memory_space<hbm>>
        %dma_start3A_129 = arith.constant 0 : i32
        %dma_start3A_130 = tpu.memref_slice %arg2[%add3A, %add3A_125, %dma_start3A_129] : memref<16x4096x1024xf32, #tpu.memory_space<hbm>> -> memref<1x16x1024xf32, #tpu.memory_space<hbm>>
        %dma_start3A_131 = tpu.memref_squeeze %dma_start3A_130 : memref<1x16x1024xf32, #tpu.memory_space<hbm>> -> memref<16x1024xf32, #tpu.memory_space<hbm>>
        tpu.enqueue_dma source(%dma_start3A_131 : memref<16x1024xf32, #tpu.memory_space<hbm>>) target(%arg6 : memref<16x1024xf32, #tpu.memory_space<vmem>>) target_semaphore(%arg11 : memref<!tpu.dma_semaphore, #tpu.memory_space<semaphore_mem>>)
      } else {
      }
      %scan3A_120 = arith.constant 0 : i32
      scf.yield %scan3A_120 : i32
    }
    %scan3A_58 = arith.constant 23 : i32
    "tpu.region"() ({
      %run_scoped3A = tpu.sem_alloc : memref<!tpu.dma_semaphore, #tpu.memory_space<semaphore_mem>>
      tpu.enqueue_dma source(%arg3 : memref<16xi32, #tpu.memory_space<hbm>>) target(%arg8 : memref<16xi32, #tpu.memory_space<vmem>>) target_semaphore(%run_scoped3A : memref<!tpu.dma_semaphore, #tpu.memory_space<semaphore_mem>>)
      tpu.wait_dma2 semaphore(%run_scoped3A : memref<!tpu.dma_semaphore, #tpu.memory_space<semaphore_mem>>) src(%arg3 : memref<16xi32, #tpu.memory_space<hbm>>) dst(%arg8 : memref<16xi32, #tpu.memory_space<vmem>>)
      tpu.yield
    }) : () -> ()
    %get3A = arith.constant 0 : index
    %get3A_59 = tpu.vector_load %arg8[%get3A] {strides = array<i32>} : memref<16xi32, #tpu.memory_space<vmem>>, vector<16xi32>,
    %get3A_60 = vector.shape_cast %get3A_59 : vector<16xi32> to vector<16xi32>
    %convert_element_type3A = arith.sitofp %get3A_60 : vector<16xi32> to vector<16xf32>
    %eq3A_61 = arith.constant 0.000000e+00 : f32
    %eq3A_62 = vector.broadcast %eq3A_61 : f32 to vector<16xf32>
    %eq3A_63 = arith.cmpf oeq, %convert_element_type3A, %eq3A_62 : vector<16xf32>
    %jit3A_64 = arith.constant 1.500000e+00 : f32
    %broadcast_in_dim3A_65 = vector.broadcast %jit3A_64 : f32 to vector<16xf32>
    %select_n3A_66 = arith.select %eq3A_63, %broadcast_in_dim3A_65, %convert_element_type3A : vector<16xi1>, vector<16xf32>
    %broadcast_in_dim3A_67 = vector.broadcast %add3A : i32 to vector<16xi32>
    %broadcast_in_dim3A_68 = vector.shape_cast %broadcast_in_dim3A_67 : vector<16xi32> to vector<16x1xi32>
    %gather3A = vector.shape_cast %broadcast_in_dim3A_68 : vector<16x1xi32> to vector<16xi32>
    %gather3A_69 = tpu.dynamic_gather %select_n3A_66[%gather3A] in [0] : vector<16xf32>, vector<16xi32> -> vector<16xf32>
    %parallel_loop3A_70 = arith.constant 0 : i32
    %parallel_loop3A_71 = arith.constant 64 : i32
    %parallel_loop3A_72 = arith.constant 1 : i32
    scf.for %parallel_loop3A_77 = %parallel_loop3A_70 to %parallel_loop3A_71 step %parallel_loop3A_72  : i32 {
      %parallel_loop3A_78 = arith.constant 16 : i32
      %parallel_loop3A_79 = arith.muli %parallel_loop3A_77, %parallel_loop3A_78 : i32
      %parallel_loop3A_80 = arith.index_cast %parallel_loop3A_79 : i32 to index
      %parallel_loop3A_81 = tpu.vector_load %arg7[%parallel_loop3A_80] {strides = array<i32>} : memref<1024xf32, #tpu.memory_space<vmem>>, vector<16xf32>,
      %parallel_loop3A_82 = vector.shape_cast %parallel_loop3A_81 : vector<16xf32> to vector<16xf32>
      %parallel_loop3A_83 = arith.divf %parallel_loop3A_82, %gather3A_69 : vector<16xf32>
      %parallel_loop3A_84 = arith.constant 16 : i32
      %parallel_loop3A_85 = arith.muli %parallel_loop3A_77, %parallel_loop3A_84 : i32
      %parallel_loop3A_86 = arith.index_cast %parallel_loop3A_85 : i32 to index
      %parallel_loop3A_87 = tpu.vector_load %arg7[%parallel_loop3A_86] {strides = array<i32>} : memref<1024xf32, #tpu.memory_space<vmem>>, vector<16xf32>,
      %parallel_loop3A_88 = vector.shape_cast %parallel_loop3A_87 : vector<16xf32> to vector<16xf32>
      %parallel_loop3A_89 = vector.shape_cast %parallel_loop3A_83 : vector<16xf32> to vector<16xf32>
      tpu.vector_store %arg7[%parallel_loop3A_86], %parallel_loop3A_89 {strides = array<i32>} : memref<1024xf32, #tpu.memory_space<vmem>>, vector<16xf32>,
    } {sc.loop_unroll_factor = 4 : i64, sc.parallel_access}
    "tpu.region"() ({
      %run_scoped3A = tpu.sem_alloc : memref<!tpu.dma_semaphore, #tpu.memory_space<semaphore_mem>>
      %dma_start3A_77 = arith.constant 0 : i32
      %dma_start3A_78 = tpu.memref_slice %arg9[%arg1, %dma_start3A_77] : memref<16x1024xf32, #tpu.memory_space<vmem_shared>> -> memref<1x1024xf32, #tpu.memory_space<vmem_shared>>
      %dma_start3A_79 = tpu.memref_squeeze %dma_start3A_78 : memref<1x1024xf32, #tpu.memory_space<vmem_shared>> -> memref<1024xf32, #tpu.memory_space<vmem_shared>>
      %dma_start3A_80 = arith.constant 0 : i32
      %dma_start3A_81 = tpu.memref_slice %arg9[%arg1, %dma_start3A_80] : memref<16x1024xf32, #tpu.memory_space<vmem_shared>> -> memref<1x1024xf32, #tpu.memory_space<vmem_shared>>
      %dma_start3A_82 = tpu.memref_squeeze %dma_start3A_81 : memref<1x1024xf32, #tpu.memory_space<vmem_shared>> -> memref<1024xf32, #tpu.memory_space<vmem_shared>>
      tpu.enqueue_dma source(%arg7 : memref<1024xf32, #tpu.memory_space<vmem>>) target(%dma_start3A_82 : memref<1024xf32, #tpu.memory_space<vmem_shared>>) target_semaphore(%run_scoped3A : memref<!tpu.dma_semaphore, #tpu.memory_space<semaphore_mem>>)
      %dma_wait3A = arith.constant 0 : i32
      %dma_wait3A_83 = tpu.memref_slice %arg9[%arg1, %dma_wait3A] : memref<16x1024xf32, #tpu.memory_space<vmem_shared>> -> memref<1x1024xf32, #tpu.memory_space<vmem_shared>>
      %dma_wait3A_84 = tpu.memref_squeeze %dma_wait3A_83 : memref<1x1024xf32, #tpu.memory_space<vmem_shared>> -> memref<1024xf32, #tpu.memory_space<vmem_shared>>
      %dma_wait3A_85 = arith.constant 0 : i32
      %dma_wait3A_86 = tpu.memref_slice %arg9[%arg1, %dma_wait3A_85] : memref<16x1024xf32, #tpu.memory_space<vmem_shared>> -> memref<1x1024xf32, #tpu.memory_space<vmem_shared>>
      %dma_wait3A_87 = tpu.memref_squeeze %dma_wait3A_86 : memref<1x1024xf32, #tpu.memory_space<vmem_shared>> -> memref<1024xf32, #tpu.memory_space<vmem_shared>>
      tpu.wait_dma2 semaphore(%run_scoped3A : memref<!tpu.dma_semaphore, #tpu.memory_space<semaphore_mem>>) src(%arg7 : memref<1024xf32, #tpu.memory_space<vmem>>) dst(%dma_wait3A_87 : memref<1024xf32, #tpu.memory_space<vmem_shared>>)
      tpu.yield
    }) : () -> ()
    %barrier3A = arith.constant 0 : index
    tpu.barrier barrier_id(%barrier3A)
    %eq3A_73 = arith.constant 0 : i32
    %eq3A_74 = arith.cmpi eq, %select_n3A_30, %eq3A_73 : i32
    %convert_element_type3A_75 = arith.extui %eq3A_74 : i1 to i32
    %cond3A = arith.constant 0 : i32
    %cond3A_76 = arith.cmpi ne, %convert_element_type3A_75, %cond3A : i32
    scf.if %cond3A_76 {
      %add3A_77 = arith.constant 1 : i32
      %add3A_78 = arith.addi %arg1, %add3A_77 : i32
      %run_scoped3A = arith.constant 0 : i32
      "tpu.region"() ({
        %run_scoped3A_82 = tpu.sem_alloc : memref<!tpu.dma_semaphore, #tpu.memory_space<semaphore_mem>>
        %dma_start3A_83 = arith.constant 0 : i32
        %dma_start3A_84 = tpu.memref_slice %arg5[%run_scoped3A, %dma_start3A_83] : memref<16x1024xf32, #tpu.memory_space<vmem>> -> memref<1x1024xf32, #tpu.memory_space<vmem>>
        %dma_start3A_85 = tpu.memref_squeeze %dma_start3A_84 : memref<1x1024xf32, #tpu.memory_space<vmem>> -> memref<1024xf32, #tpu.memory_space<vmem>>
        %dma_start3A_86 = arith.constant 0 : i32
        %dma_start3A_87 = tpu.memref_slice %arg9[%add3A_78, %dma_start3A_86] : memref<16x1024xf32, #tpu.memory_space<vmem_shared>> -> memref<1x1024xf32, #tpu.memory_space<vmem_shared>>
        %dma_start3A_88 = tpu.memref_squeeze %dma_start3A_87 : memref<1x1024xf32, #tpu.memory_space<vmem_shared>> -> memref<1024xf32, #tpu.memory_space<vmem_shared>>
        %dma_start3A_89 = arith.constant 0 : i32
        %dma_start3A_90 = tpu.memref_slice %arg5[%run_scoped3A, %dma_start3A_89] : memref<16x1024xf32, #tpu.memory_space<vmem>> -> memref<1x1024xf32, #tpu.memory_space<vmem>>
        %dma_start3A_91 = tpu.memref_squeeze %dma_start3A_90 : memref<1x1024xf32, #tpu.memory_space<vmem>> -> memref<1024xf32, #tpu.memory_space<vmem>>
        %dma_start3A_92 = arith.constant 0 : i32
        %dma_start3A_93 = tpu.memref_slice %arg9[%add3A_78, %dma_start3A_92] : memref<16x1024xf32, #tpu.memory_space<vmem_shared>> -> memref<1x1024xf32, #tpu.memory_space<vmem_shared>>
        %dma_start3A_94 = tpu.memref_squeeze %dma_start3A_93 : memref<1x1024xf32, #tpu.memory_space<vmem_shared>> -> memref<1024xf32, #tpu.memory_space<vmem_shared>>
        tpu.enqueue_dma source(%dma_start3A_94 : memref<1024xf32, #tpu.memory_space<vmem_shared>>) target(%dma_start3A_91 : memref<1024xf32, #tpu.memory_space<vmem>>) target_semaphore(%run_scoped3A_82 : memref<!tpu.dma_semaphore, #tpu.memory_space<semaphore_mem>>)
        %dma_wait3A = arith.constant 0 : i32
        %dma_wait3A_95 = tpu.memref_slice %arg5[%run_scoped3A, %dma_wait3A] : memref<16x1024xf32, #tpu.memory_space<vmem>> -> memref<1x1024xf32, #tpu.memory_space<vmem>>
        %dma_wait3A_96 = tpu.memref_squeeze %dma_wait3A_95 : memref<1x1024xf32, #tpu.memory_space<vmem>> -> memref<1024xf32, #tpu.memory_space<vmem>>
        %dma_wait3A_97 = arith.constant 0 : i32
        %dma_wait3A_98 = tpu.memref_slice %arg9[%add3A_78, %dma_wait3A_97] : memref<16x1024xf32, #tpu.memory_space<vmem_shared>> -> memref<1x1024xf32, #tpu.memory_space<vmem_shared>>
        %dma_wait3A_99 = tpu.memref_squeeze %dma_wait3A_98 : memref<1x1024xf32, #tpu.memory_space<vmem_shared>> -> memref<1024xf32, #tpu.memory_space<vmem_shared>>
        %dma_wait3A_100 = arith.constant 0 : i32
        %dma_wait3A_101 = tpu.memref_slice %arg5[%run_scoped3A, %dma_wait3A_100] : memref<16x1024xf32, #tpu.memory_space<vmem>> -> memref<1x1024xf32, #tpu.memory_space<vmem>>
        %dma_wait3A_102 = tpu.memref_squeeze %dma_wait3A_101 : memref<1x1024xf32, #tpu.memory_space<vmem>> -> memref<1024xf32, #tpu.memory_space<vmem>>
        %dma_wait3A_103 = arith.constant 0 : i32
        %dma_wait3A_104 = tpu.memref_slice %arg9[%add3A_78, %dma_wait3A_103] : memref<16x1024xf32, #tpu.memory_space<vmem_shared>> -> memref<1x1024xf32, #tpu.memory_space<vmem_shared>>
        %dma_wait3A_105 = tpu.memref_squeeze %dma_wait3A_104 : memref<1x1024xf32, #tpu.memory_space<vmem_shared>> -> memref<1024xf32, #tpu.memory_space<vmem_shared>>
        tpu.wait_dma2 semaphore(%run_scoped3A_82 : memref<!tpu.dma_semaphore, #tpu.memory_space<semaphore_mem>>) src(%dma_wait3A_105 : memref<1024xf32, #tpu.memory_space<vmem_shared>>) dst(%dma_wait3A_102 : memref<1024xf32, #tpu.memory_space<vmem>>)
        tpu.yield
      }) : () -> ()
      %parallel_loop3A_79 = arith.constant 0 : i32
      %parallel_loop3A_80 = arith.constant 64 : i32
      %parallel_loop3A_81 = arith.constant 1 : i32
      scf.for %parallel_loop3A_82 = %parallel_loop3A_79 to %parallel_loop3A_80 step %parallel_loop3A_81  : i32 {
        %parallel_loop3A_83 = arith.constant 16 : i32
        %parallel_loop3A_84 = arith.muli %parallel_loop3A_82, %parallel_loop3A_83 : i32
        %parallel_loop3A_85 = arith.index_cast %parallel_loop3A_84 : i32 to index
        %parallel_loop3A_86 = tpu.vector_load %arg7[%parallel_loop3A_85] {strides = array<i32>} : memref<1024xf32, #tpu.memory_space<vmem>>, vector<16xf32>,
        %parallel_loop3A_87 = vector.shape_cast %parallel_loop3A_86 : vector<16xf32> to vector<16xf32>
        %parallel_loop3A_88 = arith.constant 16 : i32
        %parallel_loop3A_89 = arith.muli %parallel_loop3A_82, %parallel_loop3A_88 : i32
        %parallel_loop3A_90 = arith.constant 0 : i32
        %parallel_loop3A_91 = arith.index_cast %parallel_loop3A_90 : i32 to index
        %parallel_loop3A_92 = arith.index_cast %parallel_loop3A_89 : i32 to index
        %parallel_loop3A_93 = tpu.vector_load %arg5[%parallel_loop3A_91, %parallel_loop3A_92] {strides = array<i32>} : memref<16x1024xf32, #tpu.memory_space<vmem>>, vector<1x16xf32>,
        %parallel_loop3A_94 = vector.shape_cast %parallel_loop3A_93 : vector<1x16xf32> to vector<16xf32>
        %parallel_loop3A_95 = arith.addf %parallel_loop3A_87, %parallel_loop3A_94 : vector<16xf32>
        %parallel_loop3A_96 = arith.constant 16 : i32
        %parallel_loop3A_97 = arith.muli %parallel_loop3A_82, %parallel_loop3A_96 : i32
        %parallel_loop3A_98 = arith.index_cast %parallel_loop3A_97 : i32 to index
        %parallel_loop3A_99 = tpu.vector_load %arg7[%parallel_loop3A_98] {strides = array<i32>} : memref<1024xf32, #tpu.memory_space<vmem>>, vector<16xf32>,
        %parallel_loop3A_100 = vector.shape_cast %parallel_loop3A_99 : vector<16xf32> to vector<16xf32>
        %parallel_loop3A_101 = vector.shape_cast %parallel_loop3A_95 : vector<16xf32> to vector<16xf32>
        tpu.vector_store %arg7[%parallel_loop3A_98], %parallel_loop3A_101 {strides = array<i32>} : memref<1024xf32, #tpu.memory_space<vmem>>, vector<16xf32>,
      } {sc.loop_unroll_factor = 4 : i64, sc.parallel_access}
      "tpu.region"() ({
        %run_scoped3A_82 = tpu.sem_alloc : memref<!tpu.dma_semaphore, #tpu.memory_space<semaphore_mem>>
        %dma_start3A_83 = arith.constant 0 : i32
        %dma_start3A_84 = tpu.memref_slice %arg4[%add3A, %dma_start3A_83] : memref<16x1024xf32, #tpu.memory_space<hbm>> -> memref<1x1024xf32, #tpu.memory_space<hbm>>
        %dma_start3A_85 = tpu.memref_squeeze %dma_start3A_84 : memref<1x1024xf32, #tpu.memory_space<hbm>> -> memref<1024xf32, #tpu.memory_space<hbm>>
        %dma_start3A_86 = arith.constant 0 : i32
        %dma_start3A_87 = tpu.memref_slice %arg4[%add3A, %dma_start3A_86] : memref<16x1024xf32, #tpu.memory_space<hbm>> -> memref<1x1024xf32, #tpu.memory_space<hbm>>
        %dma_start3A_88 = tpu.memref_squeeze %dma_start3A_87 : memref<1x1024xf32, #tpu.memory_space<hbm>> -> memref<1024xf32, #tpu.memory_space<hbm>>
        tpu.enqueue_dma source(%arg7 : memref<1024xf32, #tpu.memory_space<vmem>>) target(%dma_start3A_88 : memref<1024xf32, #tpu.memory_space<hbm>>) target_semaphore(%run_scoped3A_82 : memref<!tpu.dma_semaphore, #tpu.memory_space<semaphore_mem>>)
        %dma_wait3A = arith.constant 0 : i32
        %dma_wait3A_89 = tpu.memref_slice %arg4[%add3A, %dma_wait3A] : memref<16x1024xf32, #tpu.memory_space<hbm>> -> memref<1x1024xf32, #tpu.memory_space<hbm>>
        %dma_wait3A_90 = tpu.memref_squeeze %dma_wait3A_89 : memref<1x1024xf32, #tpu.memory_space<hbm>> -> memref<1024xf32, #tpu.memory_space<hbm>>
        %dma_wait3A_91 = arith.constant 0 : i32
        %dma_wait3A_92 = tpu.memref_slice %arg4[%add3A, %dma_wait3A_91] : memref<16x1024xf32, #tpu.memory_space<hbm>> -> memref<1x1024xf32, #tpu.memory_space<hbm>>
        %dma_wait3A_93 = tpu.memref_squeeze %dma_wait3A_92 : memref<1x1024xf32, #tpu.memory_space<hbm>> -> memref<1024xf32, #tpu.memory_space<hbm>>
        tpu.wait_dma2 semaphore(%run_scoped3A_82 : memref<!tpu.dma_semaphore, #tpu.memory_space<semaphore_mem>>) src(%arg7 : memref<1024xf32, #tpu.memory_space<vmem>>) dst(%dma_wait3A_93 : memref<1024xf32, #tpu.memory_space<hbm>>)
        tpu.yield
      }) : () -> ()
    } else {
    }
    return
  }
}

module attributes {stable_mosaic.version = 14 : i64} {
  func.func @_tc_body(%arg0: i32, %arg1: i32, %arg2: memref<16xi32, #tpu.memory_space<smem>>, %arg3: memref<1x2624x1024xf32, #tpu.memory_space<vmem>>, %arg4: memref<1x1x1024xf32, #tpu.memory_space<vmem>>) attributes {dimension_semantics = [#tpu.dimension_semantics<parallel>, #tpu.dimension_semantics<arbitrary>], iteration_bounds = array<i64: 16, 1>, scalar_prefetch = 1 : i64, scratch_operands = 0 : i64, tpu.core_type = #tpu.core_type<tc>, window_params = [{transform_indices = @transform_0, window_bounds = array<i64: 1, 2624, 1024>}, {transform_indices = @transform_1, window_bounds = array<i64: 1, 1, 1024>}]} {
    %eq3A = arith.constant 0 : i32
    %eq3A_0 = arith.cmpi eq, %arg1, %eq3A : i32
    %convert_element_type3A = arith.extui %eq3A_0 : i1 to i32
    %cond3A = arith.constant 0 : i32
    %cond3A_1 = arith.cmpi ne, %convert_element_type3A, %cond3A : i32
    scf.if %cond3A_1 {
      %broadcast_in_dim3A_18 = arith.constant 0.000000e+00 : f32
      %broadcast_in_dim3A_19 = vector.broadcast %broadcast_in_dim3A_18 : f32 to vector<1x1x1024xf32>
      %swap3A_20 = arith.constant 0 : index
      %swap3A_21 = arith.constant 0 : index
      %swap3A_22 = arith.constant 0 : index
      %swap3A_23 = vector.load %arg4[%swap3A_20, %swap3A_21, %swap3A_22] : memref<1x1x1024xf32, #tpu.memory_space<vmem>>, vector<1x1x1024xf32>
      tpu.vector_store %arg4[%swap3A_20, %swap3A_21, %swap3A_22], %broadcast_in_dim3A_19 {strides = array<i32>} : memref<1x1x1024xf32, #tpu.memory_space<vmem>>, vector<1x1x1024xf32>,
    } else {
    }
    %get3A = arith.constant 0 : index
    %get3A_2 = arith.constant 0 : index
    %get3A_3 = arith.constant 0 : index
    %get3A_4 = vector.load %arg4[%get3A, %get3A_2, %get3A_3] : memref<1x1x1024xf32, #tpu.memory_space<vmem>>, vector<1x1x1024xf32>
    %get3A_5 = arith.constant 0 : index
    %get3A_6 = arith.constant 0 : index
    %get3A_7 = arith.constant 0 : index
    %get3A_8 = vector.load %arg3[%get3A_5, %get3A_6, %get3A_7] : memref<1x2624x1024xf32, #tpu.memory_space<vmem>>, vector<1x2624x1024xf32>
    %reduce_sum3A = arith.constant dense<0.000000e+00> : vector<1x1024xf32>
    %reduce_sum3A_9 = vector.multi_reduction <add>, %get3A_8, %reduce_sum3A [1] : vector<1x2624x1024xf32> to vector<1x1024xf32>
    %broadcast_in_dim3A = vector.shape_cast %reduce_sum3A_9 : vector<1x1024xf32> to vector<1x1x1024xf32>
    %add3A = arith.addf %get3A_4, %broadcast_in_dim3A : vector<1x1x1024xf32>
    %swap3A = arith.constant 0 : index
    %swap3A_10 = arith.constant 0 : index
    %swap3A_11 = arith.constant 0 : index
    %swap3A_12 = vector.load %arg4[%swap3A, %swap3A_10, %swap3A_11] : memref<1x1x1024xf32, #tpu.memory_space<vmem>>, vector<1x1x1024xf32>
    tpu.vector_store %arg4[%swap3A, %swap3A_10, %swap3A_11], %add3A {strides = array<i32>} : memref<1x1x1024xf32, #tpu.memory_space<vmem>>, vector<1x1x1024xf32>,
    %eq3A_13 = arith.constant 0 : i32
    %eq3A_14 = arith.cmpi eq, %arg1, %eq3A_13 : i32
    %convert_element_type3A_15 = arith.extui %eq3A_14 : i1 to i32
    %cond3A_16 = arith.constant 0 : i32
    %cond3A_17 = arith.cmpi ne, %convert_element_type3A_15, %cond3A_16 : i32
    scf.if %cond3A_17 {
      %get3A_18 = arith.index_cast %arg0 : i32 to index
      %get3A_19 = memref.load %arg2[%get3A_18] : memref<16xi32, #tpu.memory_space<smem>>
      %convert_element_type3A_20 = arith.sitofp %get3A_19 : i32 to f32
      %eq3A_21 = arith.constant 0.000000e+00 : f32
      %eq3A_22 = arith.cmpf oeq, %convert_element_type3A_20, %eq3A_21 : f32
      %jit3A = arith.constant 1.500000e+00 : f32
      %select_n3A = arith.select %eq3A_22, %jit3A, %convert_element_type3A_20 : f32
      %get3A_23 = arith.constant 0 : index
      %get3A_24 = arith.constant 0 : index
      %get3A_25 = arith.constant 0 : index
      %get3A_26 = vector.load %arg4[%get3A_23, %get3A_24, %get3A_25] : memref<1x1x1024xf32, #tpu.memory_space<vmem>>, vector<1x1x1024xf32>
      %div3A = vector.broadcast %select_n3A : f32 to vector<1x1x1024xf32>
      %div3A_27 = arith.divf %get3A_26, %div3A : vector<1x1x1024xf32>
      %swap3A_28 = arith.constant 0 : index
      %swap3A_29 = arith.constant 0 : index
      %swap3A_30 = arith.constant 0 : index
      %swap3A_31 = vector.load %arg4[%swap3A_28, %swap3A_29, %swap3A_30] : memref<1x1x1024xf32, #tpu.memory_space<vmem>>, vector<1x1x1024xf32>
      tpu.vector_store %arg4[%swap3A_28, %swap3A_29, %swap3A_30], %div3A_27 {strides = array<i32>} : memref<1x1x1024xf32, #tpu.memory_space<vmem>>, vector<1x1x1024xf32>,
    } else {
    }
    return
  }
  func.func @transform_0(%arg0: i32, %arg1: i32, %arg2: memref<16xi32, #tpu.memory_space<smem>>) -> (i32, i32, i32) {
    %c0_i32 = arith.constant 0 : i32
    %c0_i32_0 = arith.constant 0 : i32
    return %arg0, %arg1, %c0_i32 : i32, i32, i32
  }
  func.func @transform_1(%arg0: i32, %arg1: i32, %arg2: memref<16xi32, #tpu.memory_space<smem>>) -> (i32, i32, i32) {
    %c0_i32 = arith.constant 0 : i32
    %c0_i32_0 = arith.constant 0 : i32
    %c0_i32_1 = arith.constant 0 : i32
    return %arg0, %c0_i32, %c0_i32_0 : i32, i32, i32
  }
}

</mosaic_0001>

<sc_bundles>
// kernel: kernel.4.cloned.1.call-start
scs
__scs_entry_jumppad:
0x0: {  	(pc) =	sbr.rel $0x88, $3  }
0x1: {  	(tag) =	ssettag $0x0;
	lr =	simm.s32 $0x1  }
0x2: {  	[smem:$0x3F9F] =	sst lr;
	_ =	strace $0xD0000000  }
0x3: {  	_ = 	snop  }
0x4: {  	_ = 	snop  }
0x5: {  	_ = 	snop  }
0x6: {  	_ = 	snop  }
0x7: {  	_ = 	snop  }
__scs_overlays_trampoline_lowered:
0x8: {  	[smem:$0x3FAE] =	sst s0  }
0x9: {  	[smem:$0x3FAF] =	sst s1  }
0xa: {  	[smem:$0x3FB0] =	sst s2  }
0xb: {  	[smem:$0x3FB1] =	sst s3  }
0xc: {  	[smem:$0x3FB2] =	sst s4  }
0xd: {  	[smem:$0x3FB3] =	sst s5  }
0xe: {  	[smem:$0x3FB4] =	sst s6  }
0xf: {  	[smem:$0x3FB5] =	sst s7  }
0x10: {  	[smem:$0x3FB6] =	sst s8  }
0x11: {  	[smem:$0x3FB7] =	sst s9;
	s0 =	simm.s32 @!p0 $0x0  }
0x12: {  	s1 =	sld [smem:$0x3F9D];
	s0 =	simm.s32 @p0 $0x1  }
0x13: {  	[smem:$0x3FB8] =	sst s0;
	s0 =	simm.s32 @!p1 $0x0  }
0x14: {  	s2 =	sld [smem:$0x3F9C];
	s0 =	simm.s32 @p1 $0x1  }
0x15: {  	[smem:$0x3FB9] =	sst s0;
	s0 =	simm.s32 @!p2 $0x0  }
0x16: {  	s3 =	sld [smem:$0x3FDB];
	s0 =	simm.s32 @p2 $0x1  }
0x17: {  	s4 =	simm.s32 $0x1BF5;
	[smem:$0x3FBB] =	sst s0  }
0x18: {  	s0 =	sld [smem:$0x3F9E];
	_ =	swait.ge [sflag:s4], $0x0  }
0x19: {  	s7 =	sld [smem:$0x3F9F]  }
0x1a: {  	s8 =	sadd.s32 $0xFFFFE003, lr  }
0x1b: {  	s9 =	sadd.s32 $0xFFFFFEF7, lr;
	s5 =	simm.s32 $0xFFFFFFFF;
	p2 =	slt.u32 s8, $0xFFFFF086  }
0x1c: {  	p1 =	slt.u32 s9, $0xF7A;
	s5 =	simm.s32 @!p2 $0x0  }
0x1d: {  	s5 =	simm.s32 @p1 $0x1;
	p0 =	seq.s32 s7, s2  }
0x1e: {  	s7 =	smul.u32 @!p0 $0xF7A, s2;
	p2 =	seq.s32 @!p0 s5, $0x0  }
0x1f: {  	s9 =	smul.u32 $0xF7A, s1;
	s8 =	simm.s32 @!p0 $0x1BF5;
	p2 =	por !p2, p0  }
0x20: {  	[sflag:s8] =	ssyncset.s32 @!p0 $0xFFFFF086;
	s6 =	sadd.s32 @!p0 s3, s7;
	s7 =	simm.s32 @!p0 $0x108  }
0x21: {  	s3 =	sadd.s32 s3, s9;
	s6 =	sadd.s32 @!p0 $0x88, s6;
	s7 =	simm.s32 @p2 $0x1082  }
0x22: {  	[simem:s7], [sflag:s8] =	dma.local @!p0 [hbm:s6], $0xF7A  }
0x23: {  	s9 =	sor.u32 $0xD0000000, s2;
	s6 =	simm.s32 $0x108;
	_ =	swait.ge @!p0 [sflag:s8], $0x0  }
0x24: {  	s3 =	sadd.s32 $0x88, s3;
	s6 =	simm.s32 @!p1 $0x1082;
	[sflag:s4] =	ssyncset.s32 $0xFFFFF086  }
0x25: {  	[simem:s6], [sflag:s4] =	dma.local [hbm:s3], $0xF7A  }
0x26: {  	[smem:$0x3F9F] =	sst s1;
	(tag) =	ssettag s2;
	_ =	strace s9  }
0x27: {  	s1 =	sld [smem:$0x3FAF]  }
0x28: {  	s2 =	sld [smem:$0x3FB0]  }
0x29: {  	s4 =	sld [smem:$0x3FB2]  }
0x2a: {  	p0 =	seq.s32 s5, $0x0;
	s5 =	sld [smem:$0x3FB3]  }
0x2b: {  	s6 =	sld [smem:$0x3FB4]  }
0x2c: {  	s7 =	sld [smem:$0x3FB5]  }
0x2d: {  	s3 =	simm.s32 $0x108;
	s8 =	sld [smem:$0x3FB6]  }
0x2e: {  	s3 =	simm.s32 @!p0 $0x1082;
	s9 =	sld [smem:$0x3FB7]  }
0x2f: {  	lr =	sadd.s32 s0, s3;
	s0 =	sld [smem:$0x3FAE]  }
0x30: {  	s3 =	sld [smem:$0x3FB1]  }
0x31: {  	[smem:$0x3FBA] =	sst s10  }
0x32: {  	s10 =	sld [smem:$0x3FB8];
	_ =	sdelay $0x3  }
0x33: {  	p0 =	seq.s32 s10, $0x1;
	s10 =	sld [smem:$0x3FBA];
	_ =	sdelay $0x3  }
0x34: {  	[smem:$0x3FBA] =	sst s10  }
0x35: {  	s10 =	sld [smem:$0x3FB9];
	_ =	sdelay $0x3  }
0x36: {  	p1 =	seq.s32 s10, $0x1;
	s10 =	sld [smem:$0x3FBA];
	_ =	sdelay $0x3  }
0x37: {  	[smem:$0x3FBA] =	sst s10  }
0x38: {  	s10 =	sld [smem:$0x3FBB]  }
0x39: {  	_ = 	snop;
	(pc) =	sbr.ind lr, $3  }
0x3a: {  	_ = 	snop  }
0x3b: {  	_ = 	snop  }
0x3c: {  	p2 =	seq.s32 s10, $0x1;
	s10 =	sld [smem:$0x3FBA]  }
0x3d: {  	_ =	shalt  }
0x3e: {  	_ =	shalt  }
0x3f: {  	_ =	shalt  }
0x40: {  	_ =	shalt  }
0x41: {  	_ =	shalt  }
0x42: {  	_ =	shalt  }
0x43: {  	_ =	shalt  }
0x44: {  	_ =	shalt  }
0x45: {  	_ =	shalt  }
0x46: {  	_ =	shalt  }
0x47: {  	_ =	shalt  }
0x48: {  	_ =	shalt  }
0x49: {  	_ =	shalt  }
0x4a: {  	_ =	shalt  }
0x4b: {  	_ =	shalt  }
0x4c: {  	_ =	shalt  }
0x4d: {  	_ =	shalt  }
0x4e: {  	_ =	shalt  }
0x4f: {  	_ =	shalt  }
0x50: {  	_ =	shalt  }
0x51: {  	_ =	shalt  }
0x52: {  	_ =	shalt  }
0x53: {  	_ =	shalt  }
0x54: {  	_ =	shalt  }
0x55: {  	_ =	shalt  }
0x56: {  	_ =	shalt  }
0x57: {  	_ =	shalt  }
0x58: {  	_ =	shalt  }
0x59: {  	_ =	shalt  }
0x5a: {  	_ =	shalt  }
0x5b: {  	_ =	shalt  }
0x5c: {  	_ =	shalt  }
0x5d: {  	_ =	shalt  }
0x5e: {  	_ =	shalt  }
0x5f: {  	_ =	shalt  }
0x60: {  	_ =	shalt  }
0x61: {  	_ =	shalt  }
0x62: {  	_ =	shalt  }
0x63: {  	_ =	shalt  }
0x64: {  	_ =	shalt  }
0x65: {  	_ =	shalt  }
0x66: {  	_ =	shalt  }
0x67: {  	_ =	shalt  }
0x68: {  	_ =	shalt  }
0x69: {  	_ =	shalt  }
0x6a: {  	_ =	shalt  }
0x6b: {  	_ =	shalt  }
0x6c: {  	_ =	shalt  }
0x6d: {  	_ =	shalt  }
0x6e: {  	_ =	shalt  }
0x6f: {  	_ =	shalt  }
0x70: {  	_ =	shalt  }
0x71: {  	_ =	shalt  }
0x72: {  	_ =	shalt  }
0x73: {  	_ =	shalt  }
0x74: {  	_ =	shalt  }
0x75: {  	_ =	shalt  }
0x76: {  	_ =	shalt  }
0x77: {  	_ =	shalt  }
0x78: {  	_ =	shalt  }
0x79: {  	_ =	shalt  }
0x7a: {  	_ =	shalt  }
0x7b: {  	_ =	shalt  }
0x7c: {  	_ =	shalt  }
0x7d: {  	_ =	shalt  }
0x7e: {  	_ =	shalt  }
0x7f: {  	_ =	shalt  }
0x80: {  	_ =	shalt  }
0x81: {  	_ =	shalt  }
0x82: {  	_ =	shalt  }
0x83: {  	_ =	shalt  }
0x84: {  	_ =	shalt  }
0x85: {  	_ =	shalt  }
0x86: {  	_ =	shalt  }
0x87: {  	_ =	shalt  }
.Lfunc_end0:
.L_simem_size_0:
called_computation_lowered:
.L_overlay_start_0:
0x88: {  	s2 =	sld [smem:$0x3FD9]  }
0x89: {  	s3 =	sld [smem:$0x3FFE];
	_ =	sdelay $0x1  }
0x8a: {  	s1 =	srdreg.scid  }
0x8b: {  	s0 =	sand.u32 $0x1, s1  }
0x8c: {  	s18 =	sshll.u32 s0, $0xA;
	s2 =	sadd.s32 s3, s2  }
0x8d: {  	s2 =	sadd.s32 s2, s18  }
0x8e: {  	[smem:$0x3FC6] =	sst s2  }
0x8f: {  	_ = 	snop  }
0x90: {  	s2 =	sld [smem:$0x3FC9]  }
0x91: {  	s19 =	sld [smem:$0x3FC8]  }
0x92: {  	s4 =	sld [smem:$0x3FD0];
	(tm) =	ssettm $0x1  }
0x93: {  	s5 =	sld [smem:$0x3FFB];
	_ =	sdelay $0x3  }
0x94: {  	_ =	strace s5  }
0x95: {  	s5 =	sld [smem:$0x3FFC];
	_ =	sdelay $0x3  }
0x96: {  	_ =	strace s5  }
0x97: {  	s5 =	sld [smem:$0x3FFD];
	_ =	sdelay $0x3  }
0x98: {  	_ =	strace s5  }
0x99: {  	_ =	strace $0x8FFFFFFF  }
0x9a: {  	s20 =	sld [smem:$0x3FDB];
	_ =	sdelay $0x1  }
0x9b: {  	s6 =	simm.s32 $_scs_section_size  }
0x9c: {  	s7 =	simm.s32 $_size__tile_overlayer_lowered;
	s8 =	simm.s32 $_tile_overlayer_lowered  }
0x9d: {  	s23 =	simm.s32 $0x1BFF;
	s22 =	sshll.u32 s8, $0x1;
	s5 =	sadd.s32 s6, s20  }
0x9e: {  	s9 =	simm.s32 $0x0;
	s21 =	sshll.u32 s7, $0x1;
	s7 =	sadd.s32 s22, s5  }
0x9f: {  	[timem:s9], [sflag:s23] =	dma.local [hbm:s7], s21  }
0xa0: {  	_ =	swait.ge [sflag:s23], s21  }
0xa1: {  	s6 =	ssub.s32 $0x0, s21;
	[sflag:s23] =	ssyncset.done $0x0  }
0xa2: {  	[sflag:s23] =	ssyncadd.s32 s6;
	_ =	sdelay $0x1  }
0xa3: {  	s24 =	simm.s32 $0x1B8B  }
0xa4: {  	_ =	swait.ge [sflag:s24], $0x1  }
0xa5: {  	[sflag:s24] =	ssyncset.done $0x0  }
0xa6: {  	s25 =	simm.s32 $0x1B8E;
	[sflag:s24] =	ssyncadd.s32 $0xFFFFFFFF  }
0xa7: {  	s26 =	simm.s32 $execute0_lowered;
	[smem:$0x3FD2] =	sst s25  }
0xa8: {  	s6 =	sshll.u32 s26, $0x1;
	_ =	strace $0x80000046;
	[dreg:$0x1] =	wrdreg $0xFFFFFFFF  }
0xa9: {  	s28 =	simm.s32 $_size_execute0_lowered;
	s5 =	sadd.s32 s5, s6;
	[dreg:$0x0] =	wrdreg $0x0  }
0xaa: {  	s6 =	sshll.u32 s28, $0x1;
	[dreg:$0x2] =	wrdreg s5  }
0xab: {  	[dreg:$0x3] =	wrdreg s6  }
0xac: {  	[dreg:$0x4] =	wrdreg $0xC0  }
0xad: {  	_ =	task [dreg:s9], $0x5FFFF  }
0xae: {  	[dreg:$0x1] =	wrdreg $0xFFFFFFFF  }
0xaf: {  	[dreg:$0x0] =	wrdreg $0x60  }
0xb0: {  	[dreg:$0x2] =	wrdreg s2  }
0xb1: {  	[dreg:$0x3] =	wrdreg s19  }
0xb2: {  	[dreg:$0x4] =	wrdreg s4  }
0xb3: {  	[dreg:$0x5] =	wrdreg $0x84800  }
0xb4: {  	[dreg:$0x6] =	wrdreg $0x9  }
0xb5: {  	_ =	task.clear_ibuf [dreg:s9], $0x7FFFF;
	_ =	strace $0x90000046  }
0xb6: {  	s29 =	simm.s32 $0x9;
	_ =	strace $0x80000048  }
0xb7: {  	_ =	swait.ge [sflag:s29], $0x1  }
0xb8: {  	[sflag:s29] =	ssyncadd.s32 $0xFFFFFFFF  }
0xb9: {  	_ =	strace $0x90000048  }
0xba: {  	_ =	sfence  }
0xbb: {  	s30 =	sld [smem:$0x0];
	_ =	sdelay $0x2  }
0xbc: {  	s31 =	sshll.u32 s1, $0xD;
	s1 =	sshrl.u32 s1, $0x2  }
0xbd: {  	s3 =	sand.u32 $0x4000, s31;
	s1 =	sadd.s32 s1, s30  }
0xbe: {  	s0 =	sor.u32 s3, s0;
	s1 =	sshll.u32 s1, $0x11  }
0xbf: {  	s0 =	sor.u32 s1, s0  }
0xc0: {  	s0 =	sadd.s32 $0x8F2B, s0  }
0xc1: {  	[sflag:s0] =	ssyncadd.remote.s32 $0x1  }
0xc2: {  	_ =	sfence.sel $0xFFFF  }
0xc3: {  	[dreg:$0x0] =	wrdreg $0xFFFFFFFF;
	(pc) =	sbr.abs _section_cstart, $3  }
0xc4: {  	[dreg:$0x1] =	wrdreg $0xFFFFFFFF  }
0xc5: {  	_ =	task.clear_ibuf [dreg:s9], $0x2FFFF;
	_ =	strace $0x9FFFFFFF  }
0xc6: {  	(tm) =	ssettm $0x7FFFFFFF  }
0xc7: {  	_ =	shalt  }
tec
execute0_lowered:
.L_overlay_start_1:
0x0: {  	(tag) =	ssettag $0x1  }
0x1: {  	s11 =	rddreg [dreg:$0x0]  }
0x2: {  	s0 =	rddreg [dreg:$0x2]  }
0x3: {  	s1 =	rddreg [dreg:$0x3]  }
0x4: {  	s2 =	srdreg.scid;
	s12 =	stileid.u32  }
0x5: {  	s7 =	simm.s32 $0x0;
	s2 =	sand.u32 $0x1, s2;
	s4 =	sshrl.u32 s12, $0x1  }
0x6: {  	s5 =	sand.u32 $0x1, s12;
	[smem:$0x7FF] =	sst s7;
	s17 =	sshll.u32 s12, $0xA  }
0x7: {  	s18 =	sshll.u32 s12, $0x7;
	s3 =	sshll.u32 s2, $0x3;
	s6 =	smul.u32 $0xB8000, s5  }
0x8: {  	_ =	strace $0x80000047;
	s14 =	ssub.s32 $0x2, s2;
	s19 =	sand.u32 $0x2000, s17  }
0x9: {  	s20 =	sand.u32 $0x380, s18;
	s21 =	sand.u32 $0x300, s18;
	s2 =	sshll.u32 s2, $0xA  }
0xa: {  	s3 =	sor.u32 s4, s3;
	s10 =	sshrl.u32 s14, $0x1;
	s1 =	sadd.s32 s19, s1  }
0xb: {  	s4 =	sshll.u32 s4, $0x4;
	s0 =	sadd.s32 s0, s2;
	s13 =	sshll.u32 s3, $0x16  }
0xc: {  	s7 =	ssub.s32 s14, s10;
	s0 =	sadd.s32 s4, s0;
	s6 =	sor.u32 s13, s6  }
0xd: {  	[smem:$0x7F5] =	sst s0;
	s23 =	smax.u32 s7, $0x1;
	s8 =	sadd.s32 $0x290000, s6  }
0xe: {  	s9 =	sadd.s32 $0x294000, s6;
	s16 =	sadd.s32 $0x298000, s6;
	[smem:$0x7F6] =	sst s23  }
0xf: {  	s6 =	sadd.s32 $0x29C000, s6;
	s8 =	sshrl.u32 s8, $0x3;
	[dreg:$0x1d] =	wrdreg s16  }
0x10: {  	[dreg:$0x1e] =	wrdreg s6;
	s6 =	sadd.s32 s21, s1;
	s1 =	sadd.s32 s20, s1  }
0x11: {  	s9 =	sshrl.u32 s9, $0x3;
	s8 =	sadd.s32 s11, s8;
	[dreg:$0x1f] =	wrdreg s1  }
0x12: {  	s15 =	sadd.s32 s11, s9;
	[dreg:$0x1b] =	wrdreg s8  }
0x13: {  	s22 =	sadd.s32 $0x80, s6;
	[dreg:$0x1c] =	wrdreg s15  }
0x14: {  	s24 =	sadd.s32 $0x480, s6;
	[smem:$0x7F4] =	sst s22  }
0x15: {  	s25 =	sadd.s32 $0x880, s6;
	[smem:$0x7F7] =	sst s24  }
0x16: {  	s26 =	sadd.s32 $0xC80, s6;
	[smem:$0x7F8] =	sst s25  }
.Ltmp0:
0x17: {  	s28 =	sadd.s32 $0x1080, s6;
	[smem:$0x7F9] =	sst s26;
	(pc) =	sbr.rel .LBB2_1-.Ltmp0, $4  }
0x18: {  	v0 =	vmov s3;
	s29 =	sadd.s32 $0x1480, s6;
	[smem:$0x7FA] =	sst s28  }
0x19: {  	v0 =	vbroadcast v0, $0x0;
	s30 =	sadd.s32 $0x1880, s6;
	[smem:$0x7FB] =	sst s29  }
0x1a: {  	s31 =	sadd.s32 $0x1C80, s6;
	[smem:$0x7FC] =	sst s30  }
0x1b: {  	v17 =	vimm.f32 $0.0e+00;
	p0 =	sne.s32 s5, $0x0;
	[tilespmem:$0x1FFF0] =	vst v0;
	s1 =	simm.s32 $0x0;
	[smem:$0x7FD] =	sst s31  }
.LBB2_16:
0x1c: {  	s0 =	sld [smem:$0x7F6];
	_ =	sdelay $0x1  }
0x1d: {  	s1 =	sadd.s32 $0x1, s1  }
0x1e: {  	p1 =	sne.s32 s1, s0  }
.Ltmp1:
0x1f: {  	_ = 	snop;
	(pc) =	sbr.rel @!p1 .LBB2_17-.Ltmp1, $1  }
0x20: {  	_ =	sdelay $0x3  }
.LBB2_1:
0x21: {  	[smem:$0x7F3] =	sst s1;
	s0 =	simm.s32 $0x8020  }
0x22: {  	[tilespmem:s0+$0xFFFFFFE0] =	vst v17  }
0x23: {  	[tilespmem:s0+$0x10] =	vst v17  }
0x24: {  	s1 =	simm.s32 $0x0;
	[tilespmem:s0+$0x0] =	vst v17  }
.LBB2_2:
0x25: {  	s1 =	sadd.s32 $0x4, s1  }
0x26: {  	[tilespmem:s0+$0xFFFFFFF0] =	vst v17;
	s0 =	sadd.s32 $0x40, s0;
	p1 =	slt.u32 s1, $0x3C  }
.Ltmp2:
0x27: {  	[tilespmem:s0+$0xFFFFFFE0] =	vst v17;
	(pc) =	sbr.rel @p1 .LBB2_2-.Ltmp2, $3  }
0x28: {  	_ =	sdelay $0x1  }
0x29: {  	[tilespmem:s0+$0x10] =	vst v17  }
0x2a: {  	[tilespmem:s0+$0x0] =	vst v17  }
0x2b: {  	[tilespmem:s0+$0xFFFFFFF0] =	vst v17  }
0x2c: {  	s0 =	rddreg [dreg:$0x1b]  }
0x2d: {  	s2 =	simm.s32 $0x0;
	s31 =	simm.s32 $0x0;
	s30 =	rddreg [dreg:$0x1c]  }
0x2e: {  	[tilespmem:s2], [sflag:$0x1] =	stream.linear.gather [hbm4b:s0+s2], $0x4000, $0x38;
	[tilespmem:$0x8880] =	vst v63  }
0x2f: {  	s1 =	simm.s32 $0x4000;
	[smem:$0x7F2] =	sst s31  }
0x30: {  	[tilespmem:s1], [sflag:$0x2] =	stream.linear.gather [hbm4b:s30+s2], $0x4000, $0x38;
	[tilespmem:$0x8880] =	vst v63  }
.LBB2_4:
0x31: {  	s0 =	simm.s32 $0x1;
	s16 =	simm.s32 $0x0  }
0x32: {  	_ =	swait.ge [sflag:s0], $0x4000;
	s3 =	sand.u32 $0x40, s16  }
0x33: {  	s5 =	sand.u32 $0x1C00, s16;
	[sflag:s0] =	ssyncset.done $0x0;
	s2 =	sor.u32 $0x30, s3  }
0x34: {  	[sflag:s0] =	ssyncadd.s32 $0xFFFFC000;
	s21 =	sor.u32 s2, s5  }
0x35: {  	v0 =	vld [tilespmem:s21+$0x180];
	_ =	sdelay $0x2  }
0x36: {  	v1 =	vld [tilespmem:s21+$0x0]  }
0x37: {  	s6 =	sor.u32 $0x2080, s5;
	v3 =	vld [tilespmem:s21+$0x80]  }
0x38: {  	s23 =	sor.u32 s2, s6;
	v15 =	vld [tilespmem:s21+$0x100];
	[tilespmem:$0x1FF30] =	vst v0  }
0x39: {  	v0 =	vld [tilespmem:s23+$0x0];
	_ =	sdelay $0x2  }
0x3a: {  	s4 =	sor.u32 $0x2000, s5  }
0x3b: {  	s9 =	sor.u32 $0x2100, s5;
	s22 =	sor.u32 s2, s4  }
0x3c: {  	s24 =	sor.u32 s2, s9;
	v16 =	vld [tilespmem:s22+$0x0];
	[tilespmem:$0x1FF40] =	vst v0  }
0x3d: {  	v0 =	vld [tilespmem:s24+$0x0];
	_ =	sdelay $0x3  }
0x3e: {  	p1 =	por $0x0, $0x0;
	s7 =	simm.s32 $0x1;
	s10 =	sor.u32 $0x2180, s5  }
0x3f: {  	s7 =	simm.s32 @!p1 $0x0;
	s1 =	sor.u32 $0x2200, s5;
	s25 =	sor.u32 s2, s10;
	[tilespmem:$0x1FF50] =	vst v0  }
0x40: {  	s11 =	sor.u32 $0x2280, s5;
	s8 =	sshll.u32 s7, $0x6;
	s26 =	sor.u32 s2, s1;
	v26 =	vld [tilespmem:s25+$0x0]  }
0x41: {  	s7 =	sor.u32 $0x2300, s5;
	s12 =	sor.u32 s2, s11;
	s13 =	sadd.s32 $0x0, s8;
	v23 =	vld [tilespmem:s26+$0x0]  }
0x42: {  	s28 =	sor.u32 s2, s7;
	s17 =	sadd.s32 $0x10, s13;
	v31 =	vld [tilespmem:s12+$0x0]  }
0x43: {  	s0 =	sor.u32 $0x2380, s5;
	s19 =	sor.u32 $0x200, s17;
	v42 =	vld [tilespmem:s28+$0x0]  }
0x44: {  	s30 =	sadd.s32 $0x30, s13;
	s31 =	sor.u32 s2, s0;
	v0 =	vld [tilespmem:s19+$0x0]  }
0x45: {  	s14 =	sor.u32 $0x200, s30;
	v63 =	vld [tilespmem:s31+$0x0]  }
0x46: {  	s15 =	sor.u32 $0x300, s30;
	v35 =	vld [tilespmem:s14+$0x0]  }
0x47: {  	s18 =	sor.u32 $0x380, s30;
	v13 =	vld [tilespmem:s15+$0x0]  }
0x48: {  	s14 =	sor.u32 $0x280, s30;
	v5 =	vld [tilespmem:s18+$0x0]  }
0x49: {  	s20 =	sor.u32 $0x280, s17;
	v48 =	vld [tilespmem:s14+$0x0];
	[tilespmem:$0x1FF60] =	vst v0  }
0x4a: {  	v0 =	vld [tilespmem:s20+$0x0];
	_ =	sdelay $0x3  }
0x4b: {  	s15 =	sadd.s32 $0x20, s13  }
0x4c: {  	s23 =	sor.u32 $0x200, s15;
	[tilespmem:$0x1FF70] =	vst v0  }
0x4d: {  	v0 =	vld [tilespmem:s23+$0x0];
	_ =	sdelay $0x2  }
0x4e: {  	s21 =	sor.u32 $0x300, s17  }
0x4f: {  	s22 =	sor.u32 $0x380, s17;
	v19 =	vld [tilespmem:s21+$0x0]  }
0x50: {  	s26 =	sor.u32 $0x300, s15;
	v24 =	vld [tilespmem:s22+$0x0];
	[tilespmem:$0x1FF80] =	vst v0  }
0x51: {  	v0 =	vld [tilespmem:s26+$0x0];
	_ =	sdelay $0x3  }
0x52: {  	s24 =	sor.u32 $0x280, s15  }
0x53: {  	s30 =	sor.u32 $0x200, s13;
	v20 =	vld [tilespmem:s24+$0x0];
	[tilespmem:$0x1FF90] =	vst v0  }
0x54: {  	v0 =	vld [tilespmem:s30+$0x0]  }
0x55: {  	s25 =	sand.u32 $0x380, s16  }
0x56: {  	s8 =	sor.u32 $0x8000, s25  }
0x57: {  	s2 =	sor.u32 s2, s8  }
0x58: {  	s28 =	sor.u32 $0x380, s15;
	v21 =	vld [tilespmem:s2+$0x0]  }
0x59: {  	s31 =	sor.u32 $0x280, s13;
	v25 =	vld [tilespmem:s28+$0x0];
	[tilespmem:$0x1FFA0] =	vst v0  }
0x5a: {  	v0 =	vld [tilespmem:s31+$0x0];
	_ =	sdelay $0x4  }
0x5b: {  	s13 =	sor.u32 $0x300, s13;
	[tilespmem:$0x1FFB0] =	vst v0  }
0x5c: {  	v0 =	vld [tilespmem:s13+$0x0];
	_ =	sdelay $0x4  }
0x5d: {  	s15 =	sor.u32 s3, s4;
	[tilespmem:$0x1FFC0] =	vst v0  }
0x5e: {  	s17 =	sor.u32 s3, s6;
	v36 =	vld [tilespmem:s15+$0x0]  }
0x5f: {  	s18 =	sor.u32 s3, s9;
	v49 =	vld [tilespmem:s17+$0x0]  }
0x60: {  	s19 =	sor.u32 s3, s10;
	v57 =	vld [tilespmem:s18+$0x0]  }
0x61: {  	s20 =	sor.u32 s3, s1;
	v9 =	vld [tilespmem:s19+$0x0]  }
0x62: {  	s21 =	sor.u32 s3, s11;
	v32 =	vld [tilespmem:s20+$0x0]  }
0x63: {  	s22 =	sor.u32 s3, s7;
	v43 =	vld [tilespmem:s21+$0x0]  }
0x64: {  	s23 =	sor.u32 $0x10, s3;
	s28 =	sor.u32 s3, s0;
	v22 =	vld [tilespmem:s22+$0x0]  }
0x65: {  	s30 =	sor.u32 s23, s5;
	v27 =	vld [tilespmem:s28+$0x0]  }
0x66: {  	v50 =	vld [tilespmem:s30+$0x0]  }
0x67: {  	v58 =	vld [tilespmem:s30+$0x80]  }
0x68: {  	v59 =	vld [tilespmem:s30+$0x100]  }
0x69: {  	s31 =	sor.u32 s23, s4;
	v10 =	vld [tilespmem:s30+$0x180]  }
0x6a: {  	s24 =	sor.u32 s23, s0;
	v51 =	vld [tilespmem:s31+$0x0]  }
0x6b: {  	s15 =	sor.u32 s23, s6;
	v2 =	vld [tilespmem:s24+$0x0]  }
0x6c: {  	s17 =	sor.u32 s23, s9;
	v14 =	vld [tilespmem:s15+$0x0]  }
0x6d: {  	s18 =	sor.u32 s23, s10;
	v52 =	vld [tilespmem:s17+$0x0]  }
0x6e: {  	s19 =	sor.u32 s23, s1;
	v11 =	vld [tilespmem:s18+$0x0]  }
0x6f: {  	s20 =	sor.u32 s23, s11;
	v60 =	vld [tilespmem:s19+$0x0]  }
0x70: {  	s21 =	sor.u32 s23, s7;
	v8 =	vld [tilespmem:s20+$0x0]  }
0x71: {  	s22 =	sor.u32 $0x20, s3;
	s23 =	sor.u32 s23, s8;
	v4 =	vld [tilespmem:s21+$0x0]  }
0x72: {  	s25 =	sor.u32 s22, s5;
	v18 =	vld [tilespmem:s23+$0x0]  }
0x73: {  	v33 =	vld [tilespmem:s25+$0x0]  }
0x74: {  	v37 =	vld [tilespmem:s25+$0x80]  }
0x75: {  	v38 =	vld [tilespmem:s25+$0x100]  }
0x76: {  	s4 =	sor.u32 s22, s4;
	v53 =	vld [tilespmem:s25+$0x180]  }
0x77: {  	s6 =	sor.u32 s22, s6;
	v39 =	vld [tilespmem:s4+$0x0]  }
0x78: {  	s26 =	sor.u32 s22, s9;
	v54 =	vld [tilespmem:s6+$0x0]  }
0x79: {  	s28 =	sor.u32 s22, s10;
	v40 =	vld [tilespmem:s26+$0x0]  }
0x7a: {  	s1 =	sor.u32 s22, s1;
	v55 =	vld [tilespmem:s28+$0x0]  }
0x7b: {  	s30 =	sor.u32 s22, s11;
	v44 =	vld [tilespmem:s1+$0x0]  }
0x7c: {  	s31 =	sor.u32 s22, s7;
	v61 =	vld [tilespmem:s30+$0x0]  }
0x7d: {  	s0 =	sor.u32 s22, s0;
	v12 =	vld [tilespmem:s31+$0x0]  }
0x7e: {  	v6 =	vld [tilespmem:s0+$0x0];
	s1 =	sor.u32 s22, s8  }
0x7f: {  	s4 =	sor.u32 s3, s5;
	v0 =	vld [tilespmem:s1+$0x0]  }
0x80: {  	v41 =	vld [tilespmem:s4+$0x0]  }
0x81: {  	v45 =	vld [tilespmem:s4+$0x80]  }
0x82: {  	s5 =	sor.u32 s16, s16;
	v34 =	vld [tilespmem:s4+$0x100]  }
0x83: {  	s0 =	sor.u32 $0x380, s5;
	v46 =	vld [tilespmem:s4+$0x180]  }
0x84: {  	s19 =	simm.s32 $0x8000;
	v62 =	vld [tilespmem:s0+$0x0];
	[tilespmem:$0x1FFD0] =	vst v0  }
0x85: {  	v0 =	vld [tilespmem:s19+$0x0];
	_ =	sdelay $0x1  }
0x86: {  	v35 =	vadd.f32 v48, v35;
	v48 =	vld [tilespmem:$0x1FF70];
	s10 =	simm.s32 $0x40  }
0x87: {  	s17 =	simm.s32 $0x200;
	s13 =	sand.u32 $0x40, s10;
	v9 =	vadd.f32 v9, v57;
	v57 =	vld [tilespmem:$0x1FFB0]  }
0x88: {  	s14 =	sand.u32 $0x1C00, s17;
	s0 =	sor.u32 $0x30, s13;
	v10 =	vadd.f32 v10, v59;
	v59 =	vld [tilespmem:$0x1FFC0]  }
0x89: {  	s6 =	sor.u32 s0, s14;
	[tilespmem:$0x1FFE0] =	vst v0;
	v0 =	vadd.f32 v3, v1;
	v1 =	vld [tilespmem:$0x1FF30]  }
0x8a: {  	v28 =	vld [tilespmem:s6+$0x0]  }
0x8b: {  	v29 =	vld [tilespmem:s6+$0x80]  }
0x8c: {  	s4 =	sor.u32 $0x2000, s14;
	v30 =	vld [tilespmem:s6+$0x100]  }
0x8d: {  	s18 =	sor.u32 $0x2080, s14;
	s7 =	sor.u32 s0, s4;
	v47 =	vld [tilespmem:s6+$0x180]  }
0x8e: {  	p1 =	por !p1, !p1;
	s3 =	sor.u32 $0x2100, s14;
	s8 =	sor.u32 s0, s18;
	v56 =	vld [tilespmem:s7+$0x0]  }
0x8f: {  	v63 =	vadd.f32 v63, v42;
	s15 =	sor.u32 $0x2200, s14;
	s9 =	sor.u32 s0, s3;
	v32 =	vadd.f32 v43, v32;
	v7 =	vld [tilespmem:s8+$0x0];
	s8 =	simm.s32 $0x1  }
0x90: {  	s12 =	sor.u32 s0, s15;
	v22 =	vadd.f32 v27, v22;
	v11 =	vadd.f32 v11, v52;
	v3 =	vld [tilespmem:s9+$0x0];
	s8 =	simm.s32 @!p1 $0x0  }
0x91: {  	v52 =	vadd.f32 v37, v33;
	v53 =	vadd.f32 v53, v38;
	v42 =	vld [tilespmem:s12+$0x0];
	s20 =	sshll.u32 s8, $0x6  }
0x92: {  	s7 =	sor.u32 $0x2280, s14;
	s8 =	sadd.s32 $0x200, s20;
	v1 =	vadd.f32 v1, v15;
	v15 =	vld [tilespmem:$0x1FF40]  }
0x93: {  	v22 =	vadd.f32 v22, v32;
	v32 =	vadd.f32 v53, v52;
	v52 =	vld [tilespmem:$0x1FFE0];
	s21 =	sor.u32 s0, s7;
	s24 =	sadd.s32 $0x30, s8  }
0x94: {  	v5 =	vadd.f32 v5, v13;
	v13 =	vld [tilespmem:s21+$0x0];
	s26 =	sor.u32 $0x200, s24  }
0x95: {  	v23 =	vadd.f32 v31, v23;
	s31 =	sor.u32 $0x300, s24;
	v31 =	vld [tilespmem:s26+$0x0]  }
0x96: {  	v5 =	vadd.f32 v5, v35;
	v19 =	vadd.f32 v24, v19;
	s30 =	sor.u32 $0x280, s24;
	s9 =	sor.u32 $0x380, s24;
	s24 =	sadd.s32 $0x20, s8;
	v24 =	vld [tilespmem:s31+$0x0]  }
0x97: {  	v0 =	vadd.f32 v1, v0;
	s26 =	sor.u32 $0x280, s24;
	v15 =	vadd.f32 v15, v16;
	v16 =	vld [tilespmem:$0x1FF50]  }
0x98: {  	v35 =	vadd.f32 v49, v36;
	v49 =	vld [tilespmem:s26+$0x0]  }
0x99: {  	s31 =	sor.u32 $0x300, s24;
	v0 =	vadd.f32 v5, v0;
	v5 =	vld [tilespmem:s30+$0x0];
	s30 =	sand.u32 $0x380, s10  }
0x9a: {  	v27 =	vld [tilespmem:s31+$0x0];
	s6 =	sor.u32 $0x8000, s30;
	s30 =	sor.u32 s13, s7  }
0x9b: {  	s16 =	sor.u32 $0x2180, s14;
	v8 =	vadd.f32 v8, v60;
	s26 =	sor.u32 s0, s6;
	v60 =	vld [tilespmem:s30+$0x0]  }
0x9c: {  	s28 =	sor.u32 $0x2300, s14;
	s11 =	sor.u32 s0, s16;
	v43 =	vld [tilespmem:s26+$0x0];
	v16 =	vadd.f32 v26, v16  }
0x9d: {  	s5 =	sor.u32 $0x2380, s14;
	s22 =	sor.u32 s0, s28;
	v26 =	vld [tilespmem:s11+$0x0]  }
0x9e: {  	s25 =	sor.u32 s0, s5;
	v1 =	vadd.f32 v16, v15;
	v15 =	vld [tilespmem:s22+$0x0]  }
0x9f: {  	s12 =	sadd.s32 $0x10, s8;
	v16 =	vadd.f32 v63, v23;
	v23 =	vld [tilespmem:s25+$0x0]  }
0xa0: {  	v63 =	vld [tilespmem:$0x1FF80];
	s22 =	sor.u32 $0x300, s12  }
0xa1: {  	v14 =	vadd.f32 v14, v51;
	s20 =	sor.u32 $0x200, s12;
	s25 =	sor.u32 $0x200, s24;
	v36 =	vld [tilespmem:s22+$0x0]  }
0xa2: {  	v9 =	vadd.f32 v9, v35;
	s21 =	sor.u32 $0x280, s12;
	s11 =	sor.u32 $0x380, s12;
	s12 =	sor.u32 $0x280, s8;
	v35 =	vld [tilespmem:s25+$0x0]  }
0xa3: {  	v2 =	vadd.f32 v2, v4;
	v11 =	vadd.f32 v11, v14;
	v14 =	vld [tilespmem:s12+$0x0]  }
0xa4: {  	s22 =	sor.u32 s13, s3;
	v1 =	vadd.f32 v16, v1;
	v16 =	vld [tilespmem:$0x1FF60]  }
0xa5: {  	v6 =	vadd.f32 v6, v12;
	v8 =	vadd.f32 v2, v8;
	v12 =	vld [tilespmem:s22+$0x0]  }
0xa6: {  	v34 =	vadd.f32 v46, v34;
	v0 =	vadd.f32 v1, v0;
	v1 =	vld [tilespmem:s9+$0x0]  }
0xa7: {  	v8 =	vadd.f32 v8, v11;
	s9 =	sor.u32 $0x380, s24;
	v20 =	vadd.f32 v20, v63;
	v63 =	vld [tilespmem:$0x1FFA0]  }
0xa8: {  	v11 =	vadd.f32 v54, v39;
	v54 =	vadd.f32 v55, v40;
	v4 =	vld [tilespmem:s9+$0x0];
	s9 =	sor.u32 $0x10, s13  }
0xa9: {  	v55 =	vadd.f32 v61, v44;
	s12 =	sor.u32 s9, s14;
	v16 =	vadd.f32 v48, v16;
	v48 =	vld [tilespmem:$0x1FF90]  }
0xaa: {  	v7 =	vadd.f32 v7, v56;
	v3 =	vadd.f32 v26, v3;
	v44 =	vld [tilespmem:s12+$0x80]  }
0xab: {  	v13 =	vadd.f32 v13, v42;
	v5 =	vadd.f32 v5, v31;
	s22 =	sor.u32 s9, s3;
	v46 =	vld [tilespmem:s12+$0x100]  }
0xac: {  	v15 =	vadd.f32 v23, v15;
	v3 =	vadd.f32 v3, v7;
	v7 =	vld [tilespmem:s22+$0x0]  }
0xad: {  	v16 =	vadd.f32 v19, v16;
	v19 =	vld [tilespmem:s20+$0x0];
	s20 =	sor.u32 s13, s4;
	v1 =	vadd.f32 v1, v24  }
0xae: {  	v37 =	vld [tilespmem:s20+$0x0]  }
0xaf: {  	v1 =	vadd.f32 v1, v5;
	v5 =	vadd.f32 v15, v13;
	v15 =	vld [tilespmem:$0x1FFD0]  }
0xb0: {  	s25 =	sor.u32 s13, s15;
	v0 =	vadd.f32 v0, v21;
	v21 =	vadd.f32 v25, v48;
	v25 =	vld [tilespmem:s21+$0x0]  }
0xb1: {  	v48 =	vadd.f32 v57, v63;
	v63 =	vadd.f32 v58, v50;
	v58 =	vld [tilespmem:s25+$0x0]  }
0xb2: {  	s21 =	sor.u32 s13, s18;
	v57 =	vadd.f32 v45, v41;
	v45 =	vadd.f32 v47, v30;
	v47 =	vld [tilespmem:s12+$0x180]  }
0xb3: {  	s30 =	sor.u32 s9, s7;
	v38 =	vld [tilespmem:s21+$0x0]  }
0xb4: {  	v40 =	vadd.f32 v62, v59;
	v3 =	vadd.f32 v5, v3;
	v5 =	vld [tilespmem:s30+$0x0]  }
0xb5: {  	v20 =	vadd.f32 v21, v20;
	v21 =	vld [tilespmem:s11+$0x0]  }
0xb6: {  	v9 =	vadd.f32 v22, v9;
	s20 =	sor.u32 s9, s4;
	v62 =	vadd.f32 v40, v48;
	v40 =	vld [tilespmem:s12+$0x0]  }
0xb7: {  	v6 =	vadd.f32 v6, v55;
	v28 =	vadd.f32 v29, v28;
	s0 =	sor.u32 $0x20, s13;
	s21 =	sor.u32 s9, s18;
	v48 =	vld [tilespmem:s20+$0x0]  }
0xb8: {  	v53 =	vadd.f32 v49, v35;
	v10 =	vadd.f32 v10, v63;
	v50 =	vld [tilespmem:s21+$0x0];
	s12 =	sor.u32 s0, s14  }
0xb9: {  	v4 =	vadd.f32 v4, v27;
	s11 =	sor.u32 $0x200, s8;
	v28 =	vadd.f32 v45, v28;
	v56 =	vld [tilespmem:s12+$0x180]  }
0xba: {  	v61 =	vadd.f32 v34, v57;
	v10 =	vadd.f32 v16, v10;
	v16 =	vld [tilespmem:s11+$0x0];
	s11 =	sor.u32 s13, s5  }
0xbb: {  	s4 =	sor.u32 s0, s4;
	v20 =	vadd.f32 v20, v32;
	v1 =	vadd.f32 v1, v28;
	v63 =	vld [tilespmem:s11+$0x0]  }
0xbc: {  	s21 =	sor.u32 s0, s16;
	v57 =	vadd.f32 v60, v58;
	v58 =	vld [tilespmem:s4+$0x0];
	v59 =	vadd.f32 v47, v46  }
0xbd: {  	s24 =	sor.u32 s13, s16;
	v60 =	vld [tilespmem:s21+$0x0];
	v8 =	vadd.f32 v8, v10;
	v10 =	vadd.f32 v54, v11  }
0xbe: {  	v11 =	vld [tilespmem:s24+$0x0];
	v1 =	vadd.f32 v3, v1;
	v55 =	vadd.f32 v38, v37  }
0xbf: {  	s24 =	sor.u32 s9, s16;
	v54 =	vld [tilespmem:s12+$0x80];
	v23 =	vadd.f32 v50, v48;
	v6 =	vadd.f32 v6, v10  }
0xc0: {  	s31 =	sor.u32 s13, s28;
	v13 =	vld [tilespmem:s24+$0x0];
	v8 =	vadd.f32 v8, v18;
	v18 =	vadd.f32 v62, v61  }
0xc1: {  	v10 =	vld [tilespmem:s31+$0x0];
	s31 =	sor.u32 s9, s28;
	v1 =	vadd.f32 v1, v43;
	v3 =	vadd.f32 v14, v16  }
0xc2: {  	s20 =	sor.u32 s0, s18;
	v51 =	vld [tilespmem:s31+$0x0];
	v14 =	vadd.f32 v4, v53;
	v6 =	vadd.f32 v6, v20  }
0xc3: {  	v16 =	vld [tilespmem:s20+$0x0];
	v20 =	vadd.f32 v44, v40;
	v11 =	vadd.f32 v11, v12  }
0xc4: {  	s25 =	sor.u32 s9, s15;
	v12 =	vld [tilespmem:s12+$0x100];
	v15 =	vadd.f32 v6, v15;
	v6 =	vadd.f32 v9, v18  }
0xc5: {  	s11 =	sor.u32 s9, s5;
	v9 =	vld [tilespmem:s25+$0x0];
	v18 =	vadd.f32 v25, v19;
	v19 =	vadd.f32 v21, v36  }
0xc6: {  	s3 =	sor.u32 s0, s3;
	v7 =	vadd.f32 v13, v7;
	v25 =	vadd.f32 v6, v52;
	v6 =	vld [tilespmem:s11+$0x0]  }
0xc7: {  	v10 =	vadd.f32 v63, v10;
	v4 =	vadd.f32 v11, v55;
	v11 =	vld [tilespmem:s3+$0x0]  }
0xc8: {  	s8 =	sor.u32 $0x300, s8;
	v18 =	vadd.f32 v19, v18;
	v19 =	vld [tilespmem:s12+$0x0];
	v7 =	vadd.f32 v7, v23  }
0xc9: {  	v2 =	vld [tilespmem:s8+$0x0];
	s24 =	sor.u32 s0, s7;
	[tilespmem:s23+$0x0] =	vst v8;
	v8 =	vadd.f32 v16, v58;
	v10 =	vadd.f32 v10, v57  }
0xca: {  	s22 =	sor.u32 s0, s15;
	v61 =	vld [tilespmem:s24+$0x0];
	v12 =	vadd.f32 v56, v12;
	v5 =	vadd.f32 v5, v9  }
0xcb: {  	v13 =	vld [tilespmem:s22+$0x0];
	s25 =	sor.u32 s0, s28;
	v4 =	vadd.f32 v10, v4;
	v6 =	vadd.f32 v6, v51  }
0xcc: {  	s28 =	sor.u32 s0, s5;
	v62 =	vld [tilespmem:s25+$0x0];
	v9 =	vadd.f32 v59, v20;
	v11 =	vadd.f32 v60, v11  }
0xcd: {  	[tilespmem:s2+$0x0] =	vst v0;
	s30 =	sor.u32 s13, s14;
	s31 =	sor.u32 s17, s10;
	v63 =	vld [tilespmem:s28+$0x0];
	v10 =	vadd.f32 v54, v19;
	v5 =	vadd.f32 v6, v5  }
0xce: {  	[tilespmem:s1+$0x0] =	vst v15;
	s1 =	sor.u32 $0x380, s31;
	v0 =	vadd.f32 v18, v9;
	v9 =	vld [tilespmem:s30+$0x180];
	v8 =	vadd.f32 v11, v8  }
0xcf: {  	v11 =	vld [tilespmem:s1+$0x0];
	v12 =	vadd.f32 v12, v10;
	v5 =	vadd.f32 v5, v7  }
0xd0: {  	v6 =	vld [tilespmem:s30+$0x0]  }
0xd1: {  	s29 =	simm.s32 $0x4;
	[tilespmem:s26+$0x0] =	vst v1;
	v10 =	vld [tilespmem:s30+$0x80];
	v0 =	vadd.f32 v5, v0;
	v5 =	vadd.f32 v14, v12  }
0xd2: {  	s15 =	sor.u32 s9, s6;
	s14 =	sor.u32 s0, s6;
	s10 =	simm.s32 $0x80;
	[tilespmem:s19+$0x0] =	vst v25;
	v7 =	vld [tilespmem:s30+$0x100];
	v12 =	vadd.f32 v61, v13;
	v13 =	vadd.f32 v63, v62  }
.LBB2_5:
0xd3: {  	s26 =	sand.u32 $0x40, s10;
	s17 =	sadd.s32 $0x200, s17  }
0xd4: {  	v1 =	vld [tilespmem:s15+$0x0];
	s19 =	sadd.s32 $0x40, s19;
	s0 =	sand.u32 $0x1C00, s17;
	s18 =	sor.u32 $0x30, s26  }
0xd5: {  	v12 =	vadd.f32 v13, v12;
	v13 =	vld [tilespmem:s19+$0x0];
	s3 =	sor.u32 s18, s0  }
0xd6: {  	v14 =	vld [tilespmem:s3+$0x0]  }
0xd7: {  	v6 =	vadd.f32 v10, v6;
	v10 =	vld [tilespmem:s14+$0x0]  }
0xd8: {  	s28 =	sor.u32 $0x2000, s0;
	v7 =	vadd.f32 v9, v7;
	v9 =	vld [tilespmem:s3+$0x80]  }
0xd9: {  	s1 =	sor.u32 s17, s10;
	s12 =	sor.u32 $0x2100, s0;
	s30 =	sor.u32 s18, s28;
	v2 =	vadd.f32 v11, v2;
	v11 =	vld [tilespmem:s3+$0x100]  }
0xda: {  	p1 =	por !p1, !p1;
	s1 =	sor.u32 $0x380, s1;
	v8 =	vadd.f32 v12, v8;
	s7 =	sor.u32 s26, s12;
	v0 =	vadd.f32 v0, v1;
	v1 =	vld [tilespmem:s30+$0x0]  }
0xdb: {  	s8 =	sor.u32 s18, s12;
	[dreg:$0x11] =	wrdreg s7;
	s7 =	sor.u32 $0x2280, s0;
	v6 =	vadd.f32 v7, v6;
	v7 =	vld [tilespmem:s3+$0x180];
	v2 =	vadd.f32 v2, v3  }
0xdc: {  	s9 =	sor.u32 $0x2080, s0;
	[dreg:$0x8] =	wrdreg s1;
	v5 =	vadd.f32 v8, v5;
	s20 =	sor.u32 s18, s7;
	[tilespmem:s15+$0x0] =	vst v0;
	v0 =	vld [tilespmem:s8+$0x0]  }
0xdd: {  	s1 =	sor.u32 $0x2200, s0;
	s3 =	sor.u32 s18, s9;
	s8 =	simm.s32 $0x1;
	v2 =	vadd.f32 v2, v6;
	v6 =	vld [tilespmem:s20+$0x0]  }
0xde: {  	s4 =	sor.u32 $0x2180, s0;
	s15 =	sor.u32 s18, s1;
	s8 =	simm.s32 @!p1 $0x0;
	v3 =	vadd.f32 v5, v10;
	v5 =	vld [tilespmem:s3+$0x0]  }
0xdf: {  	s11 =	sor.u32 s18, s4;
	s8 =	sshll.u32 s8, $0x6;
	v2 =	vadd.f32 v4, v2;
	v4 =	vld [tilespmem:s15+$0x0];
	s15 =	sor.u32 $0x2380, s0  }
0xe0: {  	s8 =	sadd.s32 s8, s17;
	[tilespmem:s14+$0x0] =	vst v3;
	v3 =	vld [tilespmem:s11+$0x0];
	s14 =	sor.u32 $0x2300, s0;
	s23 =	sor.u32 s18, s15  }
0xe1: {  	s22 =	sadd.s32 $0x30, s8;
	s21 =	sor.u32 s18, s14;
	v10 =	vld [tilespmem:s23+$0x0]  }
0xe2: {  	[dreg:$0x6] =	wrdreg s17;
	s31 =	sor.u32 s26, s9;
	s30 =	sor.u32 $0x280, s22;
	v8 =	vld [tilespmem:s21+$0x0]  }
0xe3: {  	[dreg:$0x10] =	wrdreg s31;
	s31 =	sor.u32 $0x300, s22;
	v12 =	vld [tilespmem:s30+$0x0]  }
0xe4: {  	[dreg:$0x5] =	wrdreg s19;
	s11 =	sadd.s32 $0x10, s8;
	v2 =	vadd.f32 v2, v13;
	s3 =	sor.u32 $0x380, s22;
	v13 =	vld [tilespmem:s31+$0x0]  }
0xe5: {  	s6 =	sor.u32 $0x10, s26;
	s16 =	sor.u32 $0x20, s26;
	s20 =	sor.u32 $0x280, s11;
	v15 =	vld [tilespmem:s3+$0x0]  }
0xe6: {  	s2 =	sor.u32 s26, s0;
	s25 =	sor.u32 s26, s28;
	s24 =	sor.u32 $0x200, s22;
	v18 =	vld [tilespmem:s20+$0x0]  }
0xe7: {  	[dreg:$0xf] =	wrdreg s25;
	v9 =	vadd.f32 v9, v14;
	s25 =	sadd.s32 $0x20, s8;
	v7 =	vadd.f32 v7, v11;
	s21 =	sor.u32 $0x300, s11;
	[tilespmem:s19+$0x0] =	vst v2;
	v2 =	vld [tilespmem:s24+$0x0]  }
0xe8: {  	s5 =	sor.u32 s6, s0;
	s13 =	sor.u32 s16, s0;
	s30 =	sor.u32 $0x380, s25;
	v11 =	vld [tilespmem:s21+$0x0]  }
0xe9: {  	[dreg:$0x9] =	wrdreg s2;
	s17 =	sor.u32 s26, s1;
	v7 =	vadd.f32 v7, v9;
	s19 =	sor.u32 $0x200, s11;
	v9 =	vld [tilespmem:s30+$0x0]  }
0xea: {  	s0 =	sor.u32 $0x280, s8;
	s2 =	sor.u32 $0x200, s25;
	s22 =	sor.u32 $0x280, s25;
	v16 =	vld [tilespmem:s19+$0x0]  }
0xeb: {  	s23 =	sor.u32 $0x300, s25;
	s31 =	sor.u32 $0x200, s8;
	s24 =	sor.u32 $0x380, s11;
	v4 =	vadd.f32 v6, v4;
	v6 =	vld [tilespmem:s2+$0x0]  }
0xec: {  	s8 =	sor.u32 $0x300, s8;
	s3 =	sor.u32 s26, s4;
	s25 =	sor.u32 s6, s4;
	v1 =	vadd.f32 v5, v1;
	v0 =	vadd.f32 v3, v0;
	v3 =	vld [tilespmem:s24+$0x0]  }
0xed: {  	s20 =	sor.u32 s6, s1;
	s4 =	sor.u32 s16, s4;
	s11 =	sor.u32 s26, s14;
	v5 =	vadd.f32 v10, v8;
	v10 =	vld [tilespmem:s22+$0x0]  }
0xee: {  	[dreg:$0x17] =	wrdreg s25;
	s25 =	sand.u32 $0x380, s10;
	s2 =	sor.u32 s6, s14;
	v0 =	vadd.f32 v0, v1;
	v1 =	vld [tilespmem:s23+$0x0]  }
0xef: {  	s21 =	sor.u32 s6, s28;
	s25 =	sor.u32 $0x8000, s25;
	s24 =	sor.u32 s6, s9;
	v8 =	vadd.f32 v15, v13;
	v13 =	vld [tilespmem:s2+$0x0];
	v2 =	vadd.f32 v12, v2  }
0xf0: {  	s19 =	sor.u32 s26, s7;
	[dreg:$0x19] =	wrdreg s21;
	s18 =	sor.u32 s18, s25;
	v12 =	vld [tilespmem:s24+$0x0];
	v4 =	vadd.f32 v5, v4  }
0xf1: {  	s28 =	sor.u32 s16, s28;
	s21 =	sor.u32 s6, s7;
	[dreg:$0x1a] =	wrdreg s19;
	v2 =	vadd.f32 v8, v2;
	v8 =	vld [tilespmem:s18+$0x0]  }
0xf2: {  	s30 =	sor.u32 s16, s15;
	s7 =	sor.u32 s16, s7;
	[dreg:$0x18] =	wrdreg s21;
	v0 =	vadd.f32 v4, v0;
	v4 =	vld [tilespmem:s31+$0x0]  }
0xf3: {  	s19 =	sor.u32 s26, s15;
	s26 =	sor.u32 s6, s12;
	s31 =	rddreg [dreg:$0xf];
	v2 =	vadd.f32 v2, v7;
	v7 =	vld [tilespmem:s0+$0x0]  }
0xf4: {  	s12 =	sor.u32 s16, s12;
	s23 =	sor.u32 s16, s9;
	s9 =	sor.u32 s16, s1;
	v6 =	vadd.f32 v10, v6;
	v10 =	vld [tilespmem:s31+$0x0];
	v1 =	vadd.f32 v9, v1  }
0xf5: {  	s1 =	sor.u32 s16, s14;
	s14 =	sor.u32 s16, s25;
	s16 =	rddreg [dreg:$0x1a];
	v0 =	vadd.f32 v0, v2;
	v2 =	vld [tilespmem:s8+$0x0]  }
0xf6: {  	s21 =	sor.u32 s6, s15;
	s15 =	sor.u32 s6, s25;
	s6 =	rddreg [dreg:$0x10];
	v5 =	vadd.f32 v18, v16;
	v1 =	vadd.f32 v1, v6;
	v6 =	vld [tilespmem:s16+$0x0]  }
0xf7: {  	v3 =	vadd.f32 v3, v11;
	s8 =	rddreg [dreg:$0x11];
	v0 =	vadd.f32 v0, v8;
	v8 =	vld [tilespmem:s6+$0x0]  }
0xf8: {  	v9 =	vld [tilespmem:s8+$0x0]  }
0xf9: {  	v5 =	vadd.f32 v3, v5;
	v3 =	vadd.f32 v7, v4;
	v4 =	vld [tilespmem:s17+$0x0]  }
0xfa: {  	[tilespmem:s18+$0x0] =	vst v0;
	v0 =	vld [tilespmem:s3+$0x0]  }
0xfb: {  	v7 =	vld [tilespmem:s11+$0x0]  }
0xfc: {  	v8 =	vadd.f32 v8, v10;
	v10 =	vld [tilespmem:s19+$0x0]  }
0xfd: {  	v14 =	vld [tilespmem:s9+$0x0]  }
0xfe: {  	v11 =	vld [tilespmem:s5+$0x80]  }
0xff: {  	v0 =	vadd.f32 v0, v9;
	v9 =	vld [tilespmem:s5+$0x0]  }
0x100: {  	v4 =	vadd.f32 v6, v4;
	v6 =	vld [tilespmem:s5+$0x100]  }
0x101: {  	s22 =	rddreg [dreg:$0x19];
	v0 =	vadd.f32 v0, v8;
	v8 =	vld [tilespmem:s5+$0x180];
	v7 =	vadd.f32 v10, v7  }
0x102: {  	v10 =	vld [tilespmem:s22+$0x0]  }
0x103: {  	s25 =	rddreg [dreg:$0x17];
	v4 =	vadd.f32 v7, v4;
	v7 =	vld [tilespmem:s26+$0x0]  }
0x104: {  	v9 =	vadd.f32 v11, v9;
	v11 =	vld [tilespmem:s25+$0x0]  }
0x105: {  	s26 =	rddreg [dreg:$0x18];
	v4 =	vadd.f32 v4, v0;
	v0 =	vld [tilespmem:s20+$0x0]  }
0x106: {  	v6 =	vadd.f32 v8, v6;
	v8 =	vld [tilespmem:s26+$0x0]  }
0x107: {  	v15 =	vld [tilespmem:s1+$0x0]  }
0x108: {  	v6 =	vadd.f32 v6, v9;
	v9 =	vld [tilespmem:s21+$0x0]  }
0x109: {  	v7 =	vadd.f32 v11, v7;
	v11 =	vld [tilespmem:s13+$0x80]  }
0x10a: {  	v10 =	vadd.f32 v12, v10;
	v5 =	vadd.f32 v5, v6;
	v6 =	vld [tilespmem:s13+$0x0]  }
0x10b: {  	v0 =	vadd.f32 v8, v0;
	v8 =	vld [tilespmem:s13+$0x100]  }
0x10c: {  	v7 =	vadd.f32 v7, v10;
	v10 =	vld [tilespmem:s13+$0x180]  }
0x10d: {  	v12 =	vld [tilespmem:s28+$0x0];
	v9 =	vadd.f32 v9, v13  }
0x10e: {  	v13 =	vld [tilespmem:s23+$0x0]  }
0x10f: {  	v0 =	vadd.f32 v9, v0;
	v9 =	vld [tilespmem:s12+$0x0]  }
0x110: {  	v6 =	vadd.f32 v11, v6;
	v11 =	vld [tilespmem:s4+$0x0]  }
0x111: {  	s29 =	sadd.s32 $0x4, s29;
	v0 =	vadd.f32 v0, v7;
	v7 =	vadd.f32 v10, v8;
	v8 =	vld [tilespmem:s7+$0x0]  }
0x112: {  	p2 =	slt.u32 s29, $0x3C;
	v16 =	vld [tilespmem:s30+$0x0];
	s30 =	rddreg [dreg:$0x9]  }
.Ltmp3:
0x113: {  	v10 =	vld [tilespmem:s30+$0x80];
	(pc) =	sbr.rel @p2 .LBB2_5-.Ltmp3, $4  }
0x114: {  	s31 =	rddreg [dreg:$0x8];
	v13 =	vadd.f32 v13, v12;
	v7 =	vadd.f32 v7, v6;
	v6 =	vld [tilespmem:s30+$0x0]  }
0x115: {  	v0 =	vadd.f32 v0, v5;
	v9 =	vadd.f32 v11, v9;
	v11 =	vld [tilespmem:s31+$0x0]  }
0x116: {  	s17 =	rddreg [dreg:$0x6];
	v5 =	vadd.f32 v1, v7;
	v7 =	vld [tilespmem:s30+$0x100];
	v12 =	vadd.f32 v8, v14  }
0x117: {  	s10 =	sadd.s32 $0x40, s10;
	s19 =	rddreg [dreg:$0x5];
	v8 =	vadd.f32 v9, v13;
	v9 =	vld [tilespmem:s30+$0x180];
	v13 =	vadd.f32 v16, v15  }
0x118: {  	_ =	sdelay $0x2  }
0x119: {  	v1 =	vadd.f32 v10, v6  }
0x11a: {  	v2 =	vadd.f32 v11, v2;
	v6 =	vadd.f32 v9, v7;
	v7 =	vld [tilespmem:s15+$0x0];
	_ =	sdelay $0x1  }
0x11b: {  	s0 =	sadd.s32 $0x40, s19;
	v2 =	vadd.f32 v2, v3;
	v1 =	vadd.f32 v6, v1  }
0x11c: {  	v9 =	vadd.f32 v13, v12;
	v3 =	vld [tilespmem:s0+$0x0]  }
0x11d: {  	v10 =	vld [tilespmem:s14+$0x0];
	v1 =	vadd.f32 v2, v1  }
0x11e: {  	s1 =	sld [smem:$0x7F2];
	v6 =	vadd.f32 v9, v8;
	v0 =	vadd.f32 v0, v7  }
0x11f: {  	v1 =	vadd.f32 v4, v1  }
0x120: {  	v2 =	vadd.f32 v6, v5;
	[tilespmem:s15+$0x0] =	vst v0  }
0x121: {  	s2 =	sshll.u32 s1, $0xF;
	p1 =	seq.s32 s1, $0x16;
	v0 =	vadd.f32 v1, v3;
	s1 =	rddreg [dreg:$0x1d]  }
0x122: {  	v2 =	vadd.f32 v2, v10;
	[smem:$0x7F1] =	sst s2;
	s1 =	sadd.s32 @!p1 s2, s1  }
0x123: {  	s21 =	simm.s32 $0x2;
	s1 =	sshrl.u32 @!p1 s1, $0x3;
	[tilespmem:s0+$0x0] =	vst v0;
	s0 =	rddreg [dreg:$0x0]  }
0x124: {  	[tilespmem:s14+$0x0] =	vst v2;
	s2 =	simm.s32 $0x0;
	s0 =	sadd.s32 @!p1 s0, s1;
	s1 =	simm.s32 @!p1 $0x0  }
0x125: {  	[tilespmem:s1], [sflag:$0x1] =	stream.linear.gather @!p1 [hbm4b:s0+s1], $0x4000, $0x38;
	[tilespmem:$0x8880] =	vst v63  }
0x126: {  	s18 =	sand.u32 $0x40, s2;
	s22 =	sand.u32 $0x1C00, s2;
	_ =	swait.ge [sflag:s21], $0x4000  }
0x127: {  	s17 =	sor.u32 $0x4000, s22;
	s4 =	sor.u32 $0x30, s18;
	[sflag:s21] =	ssyncset.done $0x0  }
0x128: {  	s23 =	sor.u32 s4, s17;
	[sflag:s21] =	ssyncadd.s32 $0xFFFFC000  }
0x129: {  	v0 =	vld [tilespmem:s23+$0x0]  }
0x12a: {  	v1 =	vld [tilespmem:s23+$0x80]  }
0x12b: {  	s16 =	sor.u32 $0x6000, s22;
	v3 =	vld [tilespmem:s23+$0x100]  }
0x12c: {  	s15 =	sor.u32 $0x6080, s22;
	s24 =	sor.u32 s4, s16;
	v4 =	vld [tilespmem:s23+$0x180]  }
0x12d: {  	s6 =	sor.u32 $0x6100, s22;
	s25 =	sor.u32 s4, s15;
	v5 =	vld [tilespmem:s24+$0x0]  }
0x12e: {  	p2 =	por $0x0, $0x0;
	s10 =	sor.u32 $0x6180, s22;
	s26 =	sor.u32 s4, s6;
	v6 =	vld [tilespmem:s25+$0x0]  }
0x12f: {  	s3 =	simm.s32 $0x1;
	s5 =	sor.u32 $0x6200, s22;
	s28 =	sor.u32 s4, s10;
	v7 =	vld [tilespmem:s26+$0x0]  }
0x130: {  	s3 =	simm.s32 @!p2 $0x0;
	s11 =	sor.u32 $0x6280, s22;
	s29 =	sor.u32 s4, s5;
	v8 =	vld [tilespmem:s28+$0x0]  }
0x131: {  	s3 =	sshll.u32 s3, $0x6;
	s13 =	sor.u32 $0x6300, s22;
	s31 =	sor.u32 s4, s11;
	v9 =	vld [tilespmem:s29+$0x0]  }
0x132: {  	s3 =	sadd.s32 $0x0, s3;
	s14 =	sor.u32 $0x6380, s22;
	s1 =	sor.u32 s4, s13;
	v10 =	vld [tilespmem:s31+$0x0]  }
0x133: {  	s7 =	sadd.s32 $0x30, s3;
	s8 =	sor.u32 s4, s14;
	v11 =	vld [tilespmem:s1+$0x0]  }
0x134: {  	s9 =	sor.u32 $0x200, s7;
	v12 =	vld [tilespmem:s8+$0x0]  }
0x135: {  	s12 =	sor.u32 $0x280, s7;
	v13 =	vld [tilespmem:s9+$0x4000]  }
0x136: {  	s20 =	sadd.s32 $0x10, s3;
	s19 =	sor.u32 $0x300, s7;
	v14 =	vld [tilespmem:s12+$0x4000]  }
0x137: {  	s21 =	sor.u32 $0x200, s20;
	v15 =	vld [tilespmem:s19+$0x4000]  }
0x138: {  	s22 =	sor.u32 $0x280, s20;
	v18 =	vld [tilespmem:s21+$0x4000]  }
0x139: {  	s0 =	sor.u32 $0x380, s20;
	v19 =	vld [tilespmem:s22+$0x4000]  }
0x13a: {  	s1 =	sor.u32 $0x380, s7;
	v21 =	vld [tilespmem:s0+$0x4000]  }
0x13b: {  	s23 =	sor.u32 $0x300, s20;
	v16 =	vld [tilespmem:s1+$0x4000]  }
0x13c: {  	s29 =	sor.u32 $0x200, s3;
	v20 =	vld [tilespmem:s23+$0x4000]  }
0x13d: {  	s31 =	sor.u32 $0x280, s3;
	v26 =	vld [tilespmem:s29+$0x4000]  }
0x13e: {  	s7 =	sor.u32 $0x300, s3;
	v27 =	vld [tilespmem:s31+$0x4000]  }
0x13f: {  	s8 =	sor.u32 s18, s17;
	v2 =	vld [tilespmem:s7+$0x4000]  }
0x140: {  	v28 =	vld [tilespmem:s8+$0x0]  }
0x141: {  	v29 =	vld [tilespmem:s8+$0x80]  }
0x142: {  	v30 =	vld [tilespmem:s8+$0x100]  }
0x143: {  	s9 =	sor.u32 s18, s16;
	v31 =	vld [tilespmem:s8+$0x180]  }
0x144: {  	s12 =	sor.u32 s18, s15;
	v32 =	vld [tilespmem:s9+$0x0]  }
0x145: {  	s19 =	sor.u32 s18, s6;
	v33 =	vld [tilespmem:s12+$0x0]  }
0x146: {  	s20 =	sor.u32 s18, s10;
	v34 =	vld [tilespmem:s19+$0x0]  }
0x147: {  	s21 =	sor.u32 s18, s5;
	v35 =	vld [tilespmem:s20+$0x0]  }
0x148: {  	s24 =	sadd.s32 $0x20, s3;
	s22 =	sor.u32 s18, s11;
	v36 =	vld [tilespmem:s21+$0x0]  }
0x149: {  	s25 =	sor.u32 $0x200, s24;
	v37 =	vld [tilespmem:s22+$0x0]  }
0x14a: {  	s26 =	sor.u32 $0x280, s24;
	v22 =	vld [tilespmem:s25+$0x4000]  }
0x14b: {  	s28 =	sor.u32 $0x300, s24;
	v23 =	vld [tilespmem:s26+$0x4000]  }
0x14c: {  	s1 =	sor.u32 $0x380, s24;
	v24 =	vld [tilespmem:s28+$0x4000]  }
0x14d: {  	s23 =	sor.u32 s18, s13;
	v25 =	vld [tilespmem:s1+$0x4000]  }
0x14e: {  	s24 =	sor.u32 s18, s14;
	s12 =	sor.u32 $0x20, s18;
	v38 =	vld [tilespmem:s23+$0x0]  }
0x14f: {  	v39 =	vld [tilespmem:s24+$0x0];
	s19 =	sor.u32 s12, s17  }
0x150: {  	v59 =	vld [tilespmem:s19+$0x0]  }
0x151: {  	s0 =	sor.u32 $0x10, s18;
	v60 =	vld [tilespmem:s19+$0x80];
	v0 =	vadd.f32 v1, v0  }
0x152: {  	s25 =	sor.u32 s0, s17;
	v62 =	vld [tilespmem:s19+$0x100];
	v1 =	vadd.f32 v4, v3;
	v3 =	vadd.f32 v6, v5  }
0x153: {  	v4 =	vadd.f32 v8, v7;
	v5 =	vld [tilespmem:s25+$0x0];
	v6 =	vadd.f32 v10, v9  }
0x154: {  	v7 =	vadd.f32 v12, v11;
	v8 =	vld [tilespmem:s25+$0x80];
	v9 =	vadd.f32 v14, v13  }
0x155: {  	s26 =	sand.u32 $0x380, s2;
	v11 =	vld [tilespmem:s25+$0x100];
	v10 =	vadd.f32 v16, v15;
	v57 =	vadd.f32 v33, v32  }
0x156: {  	s7 =	sor.u32 s0, s16;
	s3 =	sor.u32 $0x8000, s26;
	v12 =	vld [tilespmem:s25+$0x180];
	v58 =	vadd.f32 v35, v34;
	v0 =	vadd.f32 v1, v0  }
0x157: {  	s1 =	sor.u32 s4, s3;
	v1 =	vadd.f32 v4, v3;
	v4 =	vadd.f32 v7, v6;
	v6 =	vld [tilespmem:s7+$0x0]  }
0x158: {  	s28 =	sor.u32 s0, s15;
	v7 =	vld [tilespmem:s1+$0x0];
	v13 =	vadd.f32 v23, v22;
	v14 =	vadd.f32 v25, v24  }
0x159: {  	s29 =	sor.u32 s0, s6;
	v61 =	vadd.f32 v39, v38;
	v3 =	vadd.f32 v10, v9;
	v9 =	vld [tilespmem:s28+$0x0]  }
0x15a: {  	s7 =	sor.u32 s0, s5;
	v10 =	vld [tilespmem:s29+$0x0];
	v1 =	vadd.f32 v4, v1;
	v4 =	vadd.f32 v21, v20  }
0x15b: {  	s18 =	sor.u32 s0, s14;
	v15 =	vld [tilespmem:s7+$0x0];
	v14 =	vadd.f32 v14, v13;
	v0 =	vadd.f32 v3, v0  }
0x15c: {  	s9 =	sor.u32 s0, s13;
	v13 =	vld [tilespmem:s18+$0x0];
	v20 =	vadd.f32 v58, v57;
	v3 =	vadd.f32 v19, v18  }
0x15d: {  	s31 =	sor.u32 s0, s10;
	v18 =	vld [tilespmem:s9+$0x0];
	v19 =	vadd.f32 v31, v30;
	v0 =	vadd.f32 v1, v0  }
0x15e: {  	s8 =	sor.u32 s0, s11;
	v5 =	vadd.f32 v8, v5;
	v8 =	vadd.f32 v12, v11;
	v1 =	vld [tilespmem:s31+$0x0]  }
0x15f: {  	v16 =	vadd.f32 v4, v3;
	v0 =	vadd.f32 v0, v7;
	v7 =	vld [tilespmem:s8+$0x0]  }
0x160: {  	v63 =	vld [tilespmem:s19+$0x180];
	v3 =	vadd.f32 v27, v26;
	v4 =	vadd.f32 v29, v28  }
0x161: {  	s20 =	sor.u32 s12, s16;
	v5 =	vadd.f32 v8, v5;
	v6 =	vadd.f32 v9, v6  }
0x162: {  	s22 =	sor.u32 s12, s6;
	v11 =	vld [tilespmem:s20+$0x0];
	v4 =	vadd.f32 v19, v4;
	v19 =	vadd.f32 v37, v36  }
0x163: {  	s21 =	sor.u32 s12, s15;
	v9 =	vadd.f32 v13, v18;
	v13 =	vld [tilespmem:s22+$0x0];
	v18 =	vadd.f32 v60, v59  }
0x164: {  	s23 =	sor.u32 s12, s10;
	v1 =	vadd.f32 v1, v10;
	v10 =	vld [tilespmem:s21+$0x0];
	v7 =	vadd.f32 v7, v15  }
0x165: {  	s26 =	sor.u32 s12, s13;
	v12 =	vadd.f32 v61, v19;
	v19 =	vadd.f32 v63, v62;
	v15 =	vld [tilespmem:s23+$0x0]  }
0x166: {  	s24 =	sor.u32 s12, s5;
	v8 =	vld [tilespmem:s26+$0x0];
	v1 =	vadd.f32 v1, v6;
	v6 =	vadd.f32 v9, v7  }
0x167: {  	s25 =	sor.u32 s12, s11;
	v16 =	vadd.f32 v16, v5;
	v18 =	vadd.f32 v19, v18;
	v7 =	vld [tilespmem:s24+$0x0]  }
0x168: {  	s15 =	simm.s32 $0x8000;
	s28 =	sor.u32 s2, s2;
	s29 =	sor.u32 s12, s14;
	v5 =	vadd.f32 v12, v20;
	v9 =	vld [tilespmem:s25+$0x0];
	v1 =	vadd.f32 v6, v1  }
0x169: {  	s10 =	simm.s32 $0x40;
	s13 =	simm.s32 $0x0;
	s31 =	sor.u32 $0x380, s28;
	[tilespmem:s1+$0x0] =	vst v0;
	v0 =	vadd.f32 v14, v18;
	v12 =	vadd.f32 v10, v11;
	v10 =	vld [tilespmem:s29+$0x0]  }
0x16a: {  	s16 =	sor.u32 s0, s3;
	s30 =	sor.u32 s12, s3;
	s23 =	simm.s32 $0x200;
	v11 =	vld [tilespmem:s31+$0x4000];
	v13 =	vadd.f32 v15, v13;
	v6 =	vadd.f32 v1, v16  }
.LBB2_7:
0x16b: {  	s9 =	sand.u32 $0x40, s10;
	s3 =	sand.u32 $0x1C00, s23;
	v1 =	vld [tilespmem:s16+$0x0]  }
0x16c: {  	v14 =	vld [tilespmem:s30+$0x0];
	s1 =	sor.u32 $0x4000, s3;
	s26 =	sor.u32 $0x30, s9  }
0x16d: {  	s0 =	sor.u32 s23, s10;
	s4 =	sor.u32 s26, s1;
	v7 =	vadd.f32 v9, v7;
	v9 =	vadd.f32 v13, v12;
	v12 =	vld [tilespmem:s15+$0x0]  }
0x16e: {  	p2 =	por !p2, !p2;
	s6 =	sor.u32 $0x10, s9;
	s19 =	sor.u32 $0x20, s9;
	v13 =	vld [tilespmem:s4+$0x0]  }
0x16f: {  	s0 =	sor.u32 $0x380, s0;
	s28 =	sor.u32 $0x6000, s3;
	s12 =	sor.u32 $0x6080, s3;
	v8 =	vadd.f32 v10, v8;
	v10 =	vld [tilespmem:s4+$0x80]  }
0x170: {  	s24 =	sor.u32 $0x6100, s3;
	s5 =	sor.u32 s9, s1;
	s8 =	sor.u32 s9, s28;
	v2 =	vadd.f32 v11, v2;
	v11 =	vld [tilespmem:s4+$0x100]  }
0x171: {  	s11 =	sor.u32 s26, s28;
	[dreg:$0xc] =	wrdreg s8;
	s8 =	sor.u32 $0x6280, s3;
	v1 =	vadd.f32 v6, v1;
	v6 =	vadd.f32 v8, v7;
	v7 =	vld [tilespmem:s4+$0x180]  }
0x172: {  	[dreg:$0x7] =	wrdreg s0;
	s2 =	sor.u32 s6, s1;
	s22 =	sor.u32 s26, s8;
	v2 =	vadd.f32 v2, v3;
	v3 =	vld [tilespmem:s11+$0x0]  }
0x173: {  	s7 =	sor.u32 s19, s1;
	s17 =	sor.u32 s26, s12;
	s4 =	simm.s32 $0x1;
	v8 =	vld [tilespmem:s22+$0x0]  }
0x174: {  	s20 =	sor.u32 s26, s24;
	s0 =	sor.u32 $0x6300, s3;
	[tilespmem:s16+$0x0] =	vst v1;
	s4 =	simm.s32 @!p2 $0x0;
	v1 =	vadd.f32 v6, v9;
	v6 =	vld [tilespmem:s17+$0x0]  }
0x175: {  	s25 =	sor.u32 s26, s0;
	s16 =	sor.u32 $0x6180, s3;
	v2 =	vadd.f32 v2, v4;
	v4 =	vld [tilespmem:s20+$0x0];
	s4 =	sshll.u32 s4, $0x6  }
0x176: {  	s1 =	sor.u32 $0x6200, s3;
	s21 =	sor.u32 s26, s16;
	v9 =	vld [tilespmem:s25+$0x0];
	s4 =	sadd.s32 s4, s23  }
0x177: {  	[dreg:$0xa] =	wrdreg s7;
	s7 =	sor.u32 s26, s1;
	v0 =	vadd.f32 v1, v0;
	v1 =	vld [tilespmem:s21+$0x0];
	v2 =	vadd.f32 v5, v2;
	s29 =	sadd.s32 $0x30, s4  }
0x178: {  	s14 =	sor.u32 s9, s12;
	s18 =	sor.u32 s9, s24;
	v5 =	vld [tilespmem:s7+$0x0];
	s31 =	sor.u32 $0x280, s29  }
0x179: {  	[dreg:$0xb] =	wrdreg s2;
	s2 =	sadd.s32 $0x4, s13;
	s13 =	sor.u32 $0x300, s29;
	v2 =	vadd.f32 v2, v12;
	v12 =	vld [tilespmem:s31+$0x4000]  }
0x17a: {  	[dreg:$0xd] =	wrdreg s14;
	s11 =	sadd.s32 $0x10, s4;
	s7 =	sor.u32 $0x380, s29;
	v0 =	vadd.f32 v0, v14;
	v14 =	vld [tilespmem:s13+$0x4000]  }
0x17b: {  	[dreg:$0xe] =	wrdreg s18;
	s14 =	sor.u32 $0x6380, s3;
	s18 =	sor.u32 $0x200, s11;
	v15 =	vld [tilespmem:s7+$0x4000]  }
0x17c: {  	s22 =	sor.u32 s26, s14;
	v16 =	vld [tilespmem:s18+$0x4000]  }
0x17d: {  	s17 =	sor.u32 $0x200, s29;
	[tilespmem:s30+$0x0] =	vst v0;
	v0 =	vld [tilespmem:s22+$0x0]  }
0x17e: {  	s20 =	sor.u32 $0x280, s11;
	[tilespmem:s15+$0x0] =	vst v2;
	v2 =	vld [tilespmem:s17+$0x4000]  }
0x17f: {  	s21 =	sor.u32 $0x300, s11;
	v18 =	vld [tilespmem:s20+$0x4000]  }
0x180: {  	v10 =	vadd.f32 v10, v13;
	s25 =	sadd.s32 $0x20, s4;
	v7 =	vadd.f32 v7, v11;
	v11 =	vld [tilespmem:s21+$0x4000];
	s22 =	sor.u32 $0x380, s11  }
0x181: {  	v3 =	vadd.f32 v6, v3;
	s30 =	sor.u32 $0x200, s25;
	v1 =	vadd.f32 v1, v4;
	v4 =	vld [tilespmem:s22+$0x4000]  }
0x182: {  	s29 =	sor.u32 $0x280, s25;
	v5 =	vadd.f32 v8, v5;
	v6 =	vld [tilespmem:s30+$0x4000];
	v8 =	vadd.f32 v15, v14  }
0x183: {  	s31 =	sor.u32 $0x300, s25;
	s20 =	sand.u32 $0x380, s10;
	s25 =	sor.u32 $0x380, s25;
	v0 =	vadd.f32 v0, v9;
	v2 =	vadd.f32 v12, v2;
	v9 =	vld [tilespmem:s29+$0x4000]  }
0x184: {  	v7 =	vadd.f32 v7, v10;
	s30 =	sor.u32 $0x8000, s20;
	v10 =	vld [tilespmem:s25+$0x4000];
	v1 =	vadd.f32 v1, v3  }
0x185: {  	v3 =	vld [tilespmem:s31+$0x4000];
	s29 =	sor.u32 s26, s30;
	v2 =	vadd.f32 v8, v2;
	v0 =	vadd.f32 v0, v5  }
0x186: {  	s13 =	sor.u32 $0x200, s4;
	v4 =	vadd.f32 v4, v11;
	v5 =	vadd.f32 v18, v16;
	v8 =	vld [tilespmem:s29+$0x0]  }
0x187: {  	s21 =	sor.u32 s6, s28;
	s17 =	sor.u32 $0x280, s4;
	v2 =	vadd.f32 v2, v7;
	v0 =	vadd.f32 v0, v1;
	v1 =	vld [tilespmem:s13+$0x4000]  }
0x188: {  	[dreg:$0x14] =	wrdreg s21;
	s22 =	sor.u32 s6, s24;
	v7 =	vld [tilespmem:s17+$0x4000];
	v6 =	vadd.f32 v9, v6  }
0x189: {  	[dreg:$0x15] =	wrdreg s22;
	s22 =	sor.u32 s6, s16;
	v9 =	vadd.f32 v4, v5;
	v4 =	vld [tilespmem:s5+$0x0];
	v0 =	vadd.f32 v0, v2  }
0x18a: {  	s3 =	sor.u32 $0x300, s4;
	[dreg:$0x12] =	wrdreg s22;
	s22 =	sor.u32 s6, s1;
	v5 =	vld [tilespmem:s5+$0x80]  }
0x18b: {  	s7 =	sor.u32 s9, s16;
	[dreg:$0x16] =	wrdreg s22;
	s22 =	sor.u32 s6, s8;
	v2 =	vld [tilespmem:s3+$0x4000];
	v0 =	vadd.f32 v0, v8  }
0x18c: {  	s21 =	sor.u32 s6, s12;
	s20 =	sor.u32 s6, s0;
	[dreg:$0x13] =	wrdreg s22;
	v8 =	vadd.f32 v10, v3;
	v10 =	vld [tilespmem:s5+$0x100]  }
0x18d: {  	s31 =	sor.u32 s19, s12;
	s12 =	sor.u32 s19, s16;
	s3 =	rddreg [dreg:$0xc];
	[tilespmem:s29+$0x0] =	vst v0;
	v0 =	vld [tilespmem:s5+$0x180]  }
0x18e: {  	s16 =	sor.u32 s6, s30;
	s22 =	sor.u32 s6, s14;
	s6 =	rddreg [dreg:$0xe];
	v3 =	vadd.f32 v7, v1;
	v1 =	vadd.f32 v8, v6;
	v6 =	vld [tilespmem:s3+$0x0]  }
0x18f: {  	v8 =	vld [tilespmem:s6+$0x0]  }
0x190: {  	s5 =	rddreg [dreg:$0xd];
	v4 =	vadd.f32 v5, v4;
	v5 =	vld [tilespmem:s7+$0x0]  }
0x191: {  	s4 =	sor.u32 s9, s0;
	v7 =	vld [tilespmem:s5+$0x0]  }
0x192: {  	s11 =	sor.u32 s9, s1;
	v12 =	vld [tilespmem:s4+$0x0]  }
0x193: {  	s18 =	sor.u32 s9, s8;
	s9 =	sor.u32 s9, s14;
	s26 =	sor.u32 s19, s8;
	v11 =	vld [tilespmem:s11+$0x0]  }
0x194: {  	s8 =	sor.u32 s19, s0;
	s0 =	sor.u32 s19, s14;
	s14 =	rddreg [dreg:$0xb];
	v0 =	vadd.f32 v0, v10;
	v10 =	vld [tilespmem:s18+$0x0]  }
0x195: {  	v5 =	vadd.f32 v5, v8;
	v8 =	vld [tilespmem:s14+$0x80]  }
0x196: {  	v6 =	vadd.f32 v7, v6;
	v7 =	vld [tilespmem:s14+$0x0]  }
0x197: {  	v4 =	vadd.f32 v0, v4;
	v0 =	vld [tilespmem:s9+$0x0]  }
0x198: {  	v13 =	vld [tilespmem:s21+$0x0]  }
0x199: {  	v5 =	vadd.f32 v5, v6;
	v6 =	vld [tilespmem:s14+$0x100]  }
0x19a: {  	s28 =	sor.u32 s19, s28;
	s24 =	sor.u32 s19, s24;
	v10 =	vadd.f32 v10, v11;
	v11 =	vld [tilespmem:s14+$0x180]  }
0x19b: {  	s1 =	sor.u32 s19, s1;
	v14 =	vld [tilespmem:s20+$0x0];
	s30 =	sor.u32 s19, s30;
	s19 =	rddreg [dreg:$0x12]  }
0x19c: {  	s17 =	rddreg [dreg:$0x14];
	v7 =	vadd.f32 v8, v7;
	v8 =	vld [tilespmem:s19+$0x0];
	v0 =	vadd.f32 v0, v12  }
0x19d: {  	s18 =	rddreg [dreg:$0x15];
	v12 =	vld [tilespmem:s17+$0x0]  }
0x19e: {  	s25 =	rddreg [dreg:$0x13];
	v0 =	vadd.f32 v0, v10;
	v10 =	vld [tilespmem:s18+$0x0]  }
0x19f: {  	s21 =	rddreg [dreg:$0x16];
	v6 =	vadd.f32 v11, v6;
	v11 =	vld [tilespmem:s25+$0x0]  }
0x1a0: {  	v5 =	vadd.f32 v0, v5;
	v0 =	vld [tilespmem:s21+$0x0]  }
0x1a1: {  	v15 =	vld [tilespmem:s24+$0x0];
	v6 =	vadd.f32 v6, v7  }
0x1a2: {  	s29 =	rddreg [dreg:$0xa];
	v7 =	vld [tilespmem:s22+$0x0]  }
0x1a3: {  	v6 =	vadd.f32 v9, v6;
	v9 =	vld [tilespmem:s29+$0x0]  }
0x1a4: {  	v12 =	vadd.f32 v13, v12;
	v8 =	vadd.f32 v8, v10;
	v10 =	vld [tilespmem:s29+$0x80]  }
0x1a5: {  	v0 =	vadd.f32 v11, v0;
	v11 =	vld [tilespmem:s29+$0x100]  }
0x1a6: {  	v8 =	vadd.f32 v8, v12;
	v12 =	vld [tilespmem:s29+$0x180]  }
0x1a7: {  	v13 =	vld [tilespmem:s28+$0x0]  }
0x1a8: {  	v7 =	vadd.f32 v7, v14;
	v14 =	vld [tilespmem:s31+$0x0]  }
0x1a9: {  	v16 =	vld [tilespmem:s12+$0x0]  }
0x1aa: {  	p3 =	slt.u32 s2, $0x3C;
	v0 =	vadd.f32 v7, v0  }
.Ltmp4:
0x1ab: {  	v10 =	vadd.f32 v10, v9;
	v7 =	vld [tilespmem:s1+$0x0];
	v11 =	vadd.f32 v12, v11;
	(pc) =	sbr.rel @p3 .LBB2_7-.Ltmp4, $4  }
0x1ac: {  	v9 =	vld [tilespmem:s26+$0x0];
	v0 =	vadd.f32 v0, v8  }
0x1ad: {  	v8 =	vld [tilespmem:s8+$0x0];
	v12 =	vadd.f32 v14, v13;
	v14 =	vadd.f32 v11, v10  }
0x1ae: {  	s23 =	sadd.s32 $0x200, s23;
	s31 =	rddreg [dreg:$0x7];
	v13 =	vadd.f32 v16, v15;
	v10 =	vld [tilespmem:s0+$0x0]  }
0x1af: {  	s10 =	sadd.s32 $0x40, s10;
	s15 =	sadd.s32 $0x40, s15;
	s13 =	smov.u32 s2;
	v6 =	vadd.f32 v0, v6;
	v11 =	vld [tilespmem:s31+$0x4000];
	v0 =	vadd.f32 v1, v14  }
0x1b0: {  	_ =	sdelay $0x2  }
0x1b1: {  	v1 =	vadd.f32 v9, v7;
	v57 =	vadd.f32 v10, v8  }
0x1b2: {  	v2 =	vadd.f32 v11, v2  }
0x1b3: {  	v58 =	vld [tilespmem:s16+$0x0];
	v59 =	vadd.f32 v13, v12;
	v1 =	vadd.f32 v57, v1  }
0x1b4: {  	v60 =	vld [tilespmem:s30+$0x0];
	v2 =	vadd.f32 v2, v3  }
0x1b5: {  	v61 =	vld [tilespmem:s15+$0x0];
	v1 =	vadd.f32 v1, v59  }
0x1b6: {  	v2 =	vadd.f32 v2, v4  }
0x1b7: {  	v0 =	vadd.f32 v1, v0  }
.Ltmp5:
0x1b8: {  	v62 =	vadd.f32 v6, v58;
	v2 =	vadd.f32 v5, v2;
	(pc) =	sbr.rel @p1 .LBB2_10-.Ltmp5, $4  }
0x1b9: {  	v0 =	vadd.f32 v0, v60  }
0x1ba: {  	[tilespmem:s16+$0x0] =	vst v62;
	v63 =	vadd.f32 v2, v61  }
0x1bb: {  	[tilespmem:s30+$0x0] =	vst v0  }
0x1bc: {  	[tilespmem:s15+$0x0] =	vst v63  }
0x1bd: {  	s1 =	sld [smem:$0x7F1];
	_ =	sdelay $0x1  }
0x1be: {  	s0 =	rddreg [dreg:$0x1e]  }
0x1bf: {  	s29 =	rddreg [dreg:$0x0];
	s0 =	sadd.s32 s1, s0  }
.Ltmp6:
0x1c0: {  	s31 =	sld [smem:$0x7F2];
	s0 =	sshrl.u32 s0, $0x3;
	(pc) =	sbr.rel .LBB2_4-.Ltmp6, $4  }
0x1c1: {  	s30 =	simm.s32 $0x0;
	s2 =	simm.s32 $0x4000;
	s0 =	sadd.s32 s29, s0  }
0x1c2: {  	[tilespmem:s2], [sflag:$0x2] =	stream.linear.gather [hbm4b:s0+s30], $0x4000, $0x38;
	[tilespmem:$0x8880] =	vst v63  }
0x1c3: {  	s0 =	sadd.s32 $0x1, s31  }
0x1c4: {  	[smem:$0x7F2] =	sst s0  }
.LBB2_10:
0x1c5: {  	s0 =	rddreg [dreg:$0x1]  }
0x1c6: {  	s1 =	simm.s32 $0x0;
	s2 =	simm.s32 $0x8400;
	s18 =	simm.s32 $0x3  }
0x1c7: {  	[tilespmem:s2], [sflag:$0x3] =	stream.linear.gather [hbm4b:s0+s1], $0x80, $0x38;
	[tilespmem:$0x8880] =	vst v63  }
0x1c8: {  	_ =	swait.ge [sflag:s18], $0x80  }
0x1c9: {  	[sflag:s18] =	ssyncset.done $0x0  }
0x1ca: {  	[sflag:s18] =	ssyncadd.s32 $0xFFFFFF80  }
0x1cb: {  	v0 =	vld [tilespmem:$0x8400];
	_ =	sdelay $0x4  }
0x1cc: {  	v1 =	vcvt.s32.f32 v0  }
0x1cd: {  	vm0 =	veq.s32 v0, $0x0  }
0x1ce: {  	v0 =	vsel vm0, $0x3FC00000, v1;
	v1 =	vld [tilespmem:$0x1FFF0];
	_ =	sdelay $0x4  }
0x1cf: {  	v0 =	vperm.xlane v0, v1;
	_ =	sdelay $0x1  }
0x1d0: {  	(erf) = vrcp.f32 v0;
	_ =	sdelay $0x3  }
0x1d1: {  	s1 =	simm.s32 $0x8020  }
0x1d2: {  	v1 =	vld [tilespmem:s1+$0xFFFFFFE0]  }
0x1d3: {  	v2 =	vld [tilespmem:s1+$0x10]  }
0x1d4: {  	v4 =	vld [tilespmem:s1+$0x0];
	_ =	sdelay $0x1  }
0x1d5: {  	v5 =	vld [tilespmem:s1+$0xFFFFFFF0];
	v0 =	vpop (erf)  }
0x1d6: {  	s0 =	simm.s32 $0x8060;
	v1 =	vmul.f32 v1, v0  }
0x1d7: {  	v3 =	vld [tilespmem:s0+$0xFFFFFFE0];
	v6 =	vmul.f32 v2, v0  }
0x1d8: {  	v2 =	vld [tilespmem:s0+$0x10];
	[tilespmem:s1+$0xFFFFFFE0] =	vst v1;
	v1 =	vmul.f32 v4, v0  }
0x1d9: {  	v4 =	vld [tilespmem:s0+$0x0];
	[tilespmem:s1+$0x10] =	vst v6  }
0x1da: {  	s19 =	simm.s32 $0x400;
	s2 =	simm.s32 $0x4;
	v6 =	vmul.f32 v5, v0;
	v5 =	vld [tilespmem:s0+$0xFFFFFFF0];
	[tilespmem:s1+$0x0] =	vst v1  }
.LBB2_11:
0x1db: {  	s2 =	sadd.s32 $0x4, s2  }
0x1dc: {  	[tilespmem:s1+$0xFFFFFFF0] =	vst v6;
	s1 =	smov.u32 s0;
	p1 =	slt.u32 s2, $0x3C  }
.Ltmp7:
0x1dd: {  	s0 =	sadd.s32 $0x40, s0;
	v1 =	vmul.f32 v3, v0;
	(pc) =	sbr.rel @p1 .LBB2_11-.Ltmp7, $4  }
0x1de: {  	v3 =	vld [tilespmem:s0+$0xFFFFFFE0];
	v7 =	vmul.f32 v2, v0  }
0x1df: {  	v2 =	vld [tilespmem:s0+$0x10];
	[tilespmem:s1+$0xFFFFFFE0] =	vst v1;
	v1 =	vmul.f32 v4, v0  }
0x1e0: {  	v4 =	vld [tilespmem:s0+$0x0];
	v6 =	vmul.f32 v5, v0;
	[tilespmem:s1+$0x10] =	vst v7  }
0x1e1: {  	v5 =	vld [tilespmem:s0+$0xFFFFFFF0];
	[tilespmem:s1+$0x0] =	vst v1  }
0x1e2: {  	_ = 	snop  }
0x1e3: {  	v1 =	vmul.f32 v3, v0  }
0x1e4: {  	[tilespmem:s1+$0xFFFFFFF0] =	vst v6;
	v2 =	vmul.f32 v2, v0  }
0x1e5: {  	[tilespmem:s0+$0xFFFFFFE0] =	vst v1;
	v62 =	vmul.f32 v4, v0  }
0x1e6: {  	v63 =	vmul.f32 v5, v0;
	[tilespmem:s0+$0x10] =	vst v2  }
0x1e7: {  	[tilespmem:s0+$0x0] =	vst v62  }
0x1e8: {  	[tilespmem:s0+$0xFFFFFFF0] =	vst v63  }
0x1e9: {  	s31 =	simm.s32 $0x80;
	s2 =	simm.s32 $0x8000;
	s0 =	rddreg [dreg:$0x1f]  }
0x1ea: {  	[spmem:s0] =	stream.strided.scatter [tilespmem:s2], [sflag:$0x3], $0x400, s19, s31, $0x38;
	[tilespmem:$0x8880] =	vst v63  }
.Ltmp8:
0x1eb: {  	_ =	swait.ge [sflag:s18], $0x400;
	(pc) =	sbr.rel @p0 .LBB2_16-.Ltmp8, $4  }
0x1ec: {  	[sflag:s18] =	ssyncset.done $0x0  }
0x1ed: {  	[sflag:s18] =	ssyncadd.s32 $0xFFFFFC00  }
0x1ee: {  	[bflag:$0x0] =	sbarrier.arrive $0xFFFF  }
0x1ef: {  	s1 =	sld [smem:$0x7F3]  }
0x1f0: {  	s1 =	sld [smem:$0x7F4];
	_ =	sdelay $0x1  }
0x1f1: {  	s0 =	simm.s32 $0x0;
	s10 =	sld [smem:$0x7F7]  }
0x1f2: {  	[tilespmem:s0], [sflag:$0x3] =	stream.linear.gather [spmem:s1], $0x80, $0x38;
	[tilespmem:$0x8880] =	vst v63  }
0x1f3: {  	s11 =	sld [smem:$0x7F8]  }
0x1f4: {  	[tilespmem:s19], [sflag:$0x3] =	stream.linear.gather [spmem:s10], $0x80, $0x38;
	[tilespmem:$0x8880] =	vst v63  }
0x1f5: {  	s2 =	simm.s32 $0x800;
	s12 =	sld [smem:$0x7F9]  }
0x1f6: {  	[tilespmem:s2], [sflag:$0x3] =	stream.linear.gather [spmem:s11], $0x80, $0x38;
	[tilespmem:$0x8880] =	vst v63  }
0x1f7: {  	s13 =	simm.s32 $0xC00;
	s14 =	sld [smem:$0x7FA]  }
0x1f8: {  	[tilespmem:s13], [sflag:$0x3] =	stream.linear.gather [spmem:s12], $0x80, $0x38;
	[tilespmem:$0x8880] =	vst v63  }
0x1f9: {  	s15 =	simm.s32 $0x1000;
	s16 =	sld [smem:$0x7FB]  }
0x1fa: {  	[tilespmem:s15], [sflag:$0x3] =	stream.linear.gather [spmem:s14], $0x80, $0x38;
	[tilespmem:$0x8880] =	vst v63  }
0x1fb: {  	s17 =	simm.s32 $0x1400;
	s20 =	sld [smem:$0x7FC]  }
0x1fc: {  	[tilespmem:s17], [sflag:$0x3] =	stream.linear.gather [spmem:s16], $0x80, $0x38;
	[tilespmem:$0x8880] =	vst v63  }
0x1fd: {  	s21 =	simm.s32 $0x1800;
	s22 =	sld [smem:$0x7FD]  }
0x1fe: {  	[tilespmem:s21], [sflag:$0x3] =	stream.linear.gather [spmem:s20], $0x80, $0x38;
	[tilespmem:$0x8880] =	vst v63  }
0x1ff: {  	s23 =	simm.s32 $0x1C00  }
0x200: {  	[tilespmem:s23], [sflag:$0x3] =	stream.linear.gather [spmem:s22], $0x80, $0x38;
	[tilespmem:$0x8880] =	vst v63  }
0x201: {  	s3 =	sand.u32 $0x380, s0;
	_ =	swait.ge [sflag:s18], $0x400  }
0x202: {  	s24 =	sand.u32 $0x40, s0;
	s3 =	sor.u32 $0x8000, s3;
	[sflag:s18] =	ssyncset.done $0x0  }
0x203: {  	s4 =	sor.u32 $0x30, s24;
	s2 =	simm.s32 $0x8000;
	[sflag:s18] =	ssyncadd.s32 $0xFFFFFC00  }
0x204: {  	s5 =	sand.u32 $0x1C00, s0;
	s6 =	sor.u32 s4, s3;
	v1 =	vld [tilespmem:s2+$0x0]  }
0x205: {  	s25 =	sor.u32 $0x10, s24;
	s4 =	sor.u32 s4, s5;
	v0 =	vld [tilespmem:s6+$0x0]  }
0x206: {  	s7 =	sor.u32 s25, s3;
	v2 =	vld [tilespmem:s4+$0x0]  }
0x207: {  	s26 =	sor.u32 $0x20, s24;
	s0 =	sor.u32 s25, s5;
	v4 =	vld [tilespmem:s7+$0x0]  }
0x208: {  	s28 =	simm.s32 $0x40;
	s8 =	sor.u32 s26, s3;
	v5 =	vld [tilespmem:s0+$0x0]  }
0x209: {  	s9 =	sand.u32 $0x40, s28;
	s4 =	sor.u32 s26, s5;
	v6 =	vld [tilespmem:s8+$0x0];
	s0 =	simm.s32 $0x200  }
0x20a: {  	s29 =	sor.u32 $0x30, s9;
	s1 =	sor.u32 s24, s5;
	v7 =	vld [tilespmem:s4+$0x0];
	s10 =	sand.u32 $0x1C00, s0  }
0x20b: {  	s11 =	sor.u32 $0x10, s9;
	v8 =	vld [tilespmem:s1+$0x0];
	s30 =	sor.u32 s29, s10  }
0x20c: {  	s3 =	sand.u32 $0x380, s28;
	s31 =	sor.u32 s11, s10;
	v3 =	vld [tilespmem:s30+$0x0]  }
0x20d: {  	s3 =	sor.u32 $0x8000, s3;
	s1 =	simm.s32 $0x8040;
	v9 =	vadd.f32 v2, v0;
	v2 =	vld [tilespmem:s31+$0x0]  }
0x20e: {  	s12 =	sor.u32 $0x20, s9;
	s5 =	sor.u32 s29, s3;
	v5 =	vadd.f32 v5, v4;
	v0 =	vld [tilespmem:s1+$0x0]  }
0x20f: {  	s4 =	sor.u32 s11, s3;
	s3 =	sor.u32 s12, s3;
	v4 =	vld [tilespmem:s5+$0x0];
	v63 =	vadd.f32 v7, v6;
	[tilespmem:s6+$0x0] =	vst v9  }
0x210: {  	s9 =	sor.u32 s9, s10;
	s10 =	sor.u32 s12, s10;
	v6 =	vld [tilespmem:s3+$0x0];
	[tilespmem:s7+$0x0] =	vst v5  }
0x211: {  	v7 =	vadd.f32 v8, v1;
	s6 =	simm.s32 $0x4;
	v5 =	vld [tilespmem:s4+$0x0];
	s7 =	simm.s32 $0x80;
	[tilespmem:s8+$0x0] =	vst v63;
	s8 =	simm.s32 $0x8080  }
.LBB2_14:
0x212: {  	s11 =	sand.u32 $0x40, s7  }
0x213: {  	s12 =	sand.u32 $0x380, s7;
	v1 =	vld [tilespmem:s10+$0x0];
	s0 =	sadd.s32 $0x200, s0;
	[tilespmem:s2+$0x0] =	vst v7;
	s6 =	sadd.s32 $0x4, s6  }
0x214: {  	s2 =	sor.u32 $0x8000, s12;
	s10 =	sor.u32 $0x30, s11;
	v7 =	vld [tilespmem:s9+$0x0];
	v3 =	vadd.f32 v3, v4;
	s12 =	sand.u32 $0x1C00, s0  }
0x215: {  	p1 =	slt.u32 s6, $0x3C;
	s9 =	sor.u32 $0x10, s11;
	v8 =	vld [tilespmem:s8+$0x0];
	s13 =	sor.u32 s10, s2  }
.Ltmp9:
0x216: {  	s14 =	sor.u32 $0x20, s11;
	s10 =	sor.u32 s10, s12;
	v4 =	vld [tilespmem:s13+$0x0];
	v2 =	vadd.f32 v2, v5;
	[tilespmem:s5+$0x0] =	vst v3;
	(pc) =	sbr.rel @p1 .LBB2_14-.Ltmp9, $4  }
0x217: {  	s15 =	sor.u32 s9, s2;
	s16 =	sor.u32 s9, s12;
	s17 =	sor.u32 s14, s2;
	v3 =	vld [tilespmem:s10+$0x0]  }
0x218: {  	s9 =	sor.u32 s11, s12;
	s5 =	smov.u32 s13;
	s10 =	sor.u32 s14, s12;
	v5 =	vld [tilespmem:s15+$0x0];
	[tilespmem:s4+$0x0] =	vst v2;
	v1 =	vadd.f32 v1, v6  }
0x219: {  	s2 =	smov.u32 s1;
	s1 =	smov.u32 s8;
	s4 =	smov.u32 s15;
	v2 =	vld [tilespmem:s16+$0x0];
	v7 =	vadd.f32 v7, v0  }
0x21a: {  	s7 =	sadd.s32 $0x40, s7;
	s8 =	sadd.s32 $0x40, s8;
	v6 =	vld [tilespmem:s17+$0x0];
	[tilespmem:s3+$0x0] =	vst v1;
	v0 =	vmov v8;
	s3 =	smov.u32 s17  }
0x21b: {  	v1 =	vld [tilespmem:s10+$0x0]  }
0x21c: {  	v8 =	vld [tilespmem:s9+$0x0];
	_ =	sdelay $0x1  }
0x21d: {  	v3 =	vadd.f32 v3, v4  }
0x21e: {  	[tilespmem:s2+$0x0] =	vst v7;
	v2 =	vadd.f32 v2, v5  }
0x21f: {  	[tilespmem:s5+$0x0] =	vst v3;
	v1 =	vadd.f32 v1, v6  }
0x220: {  	[tilespmem:s4+$0x0] =	vst v2;
	v0 =	vadd.f32 v8, v0  }
0x221: {  	[tilespmem:s3+$0x0] =	vst v1  }
0x222: {  	[tilespmem:s1+$0x0] =	vst v0  }
0x223: {  	s0 =	sld [smem:$0x7F5];
	_ =	sdelay $0x1  }
.Ltmp10:
0x224: {  	s30 =	simm.s32 $0x80;
	s31 =	simm.s32 $0x8000;
	(pc) =	sbr.rel .LBB2_16-.Ltmp10, $4  }
0x225: {  	[hbm4b:s0+s30] =	stream.strided.scatter [tilespmem:s31], [sflag:$0x3], $0x400, s19, s30, $0x38;
	[tilespmem:$0x8880] =	vst v63  }
0x226: {  	_ =	swait.ge [sflag:s18], $0x400  }
0x227: {  	[sflag:s18] =	ssyncset.done $0x0  }
0x228: {  	s1 =	sld [smem:$0x7F3];
	[sflag:s18] =	ssyncadd.s32 $0xFFFFFC00  }
.LBB2_17:
0x229: {  	_ =	sfence.sel $0x180000  }
0x22a: {  	[bflag:$0x0] =	sbarrier.arrive $0xFFFF  }
0x22b: {  	_ =	strace $0x90000047  }
0x22c: {  	s0 =	stileid.u32;
	[bflag:$0x2] =	sbarrier.arrive $0xFFFF  }
0x22d: {  	p0 =	sne.s32 s0, $0x0;
	s0 =	rddreg [dreg:$0x4]  }
0x22e: {  	s0 =	sadd.s32 @!p0 $0x100000, s0  }
0x22f: {  	[sflag:s0] =	ssyncadd.tile.s32 @!p0 $0x1;
	_ =	shalt  }
.Lfunc_end2:
_tile_overlayer_lowered:
.L_overlay_start_2:
0x230: {  	(tag) =	ssettag $0x2  }
0x231: {  	s0 =	rddreg [dreg:$0x0];
	s2 =	stileid.u32  }
0x232: {  	s1 =	rddreg [dreg:$0x1];
	p0 =	sne.s32 s2, $0x0  }
0x233: {  	s3 =	rddreg [dreg:$0x2];
	[bflag:$0x3] =	sbarrier.arrive $0xFFFF;
	s2 =	simm.s32 @!p0 $0x1C03  }
0x234: {  	[timem:s3], [sflag:s2] =	dma.local @!p0 [hbm:s0], s1  }
0x235: {  	s0 =	simm.s32 @!p0 $0x3  }
0x236: {  	_ =	swait.ge @!p0 [sflag:s0], s1  }
0x237: {  	s1 =	ssub.s32 @!p0 $0x0, s1;
	[sflag:s0] =	ssyncset.done @!p0 $0x0  }
0x238: {  	[sflag:s0] =	ssyncadd.s32 @!p0 s1  }
0x239: {  	[bflag:$0x3] =	sbarrier.arrive $0xFFFF  }
0x23a: {  	_ =	shalt  }

</sc_bundles>
